<compile_context>
chip_gen: v7x
topology: tpu7x:2x2x1
jax: 0.10.2.dev20260603
libtpu: 0.0.44.dev20260713+nightly
codegen_flags: <defaults>
</compile_context>

<pallas_src>
import functools

import jax
import jax.numpy as jnp
from jax import lax
from jax.experimental import pallas as pl
from jax.experimental.pallas import tpu as pltpu
from jax.experimental.pallas import tpu_sc as plsc

_BIG = 2**30


def _pick_unroll(n, candidates=(8, 6, 5, 4, 3, 2, 1)):
  for u in candidates:
    if n % u == 0:
      return u
  return 1


def _sc_histograms(e, n_pad, nc, ns, lanes):
  hch = e // (nc * ns)
  assert hch % 8 == 0
  h_full, h_tail = divmod(hch, lanes)
  hch_v = (h_full + (h_tail > 0)) * lanes
  min_u = _pick_unroll(h_full)
  h_u = _pick_unroll(h_full, (8, 4, 3, 2, 1))
  z_u = _pick_unroll(n_pad // lanes)
  mesh = plsc.VectorSubcoreMesh(core_axis_name="c", subcore_axis_name="s")

  @functools.partial(
      pl.kernel,
      out_type=(
          jax.ShapeDtypeStruct((lanes,), jnp.int32),
          jax.ShapeDtypeStruct((nc * ns, n_pad), jnp.float32),
          jax.ShapeDtypeStruct((nc * ns, n_pad), jnp.float32),
      ),
      mesh=mesh,
      compiler_params=pltpu.CompilerParams(needs_layout_passes=False),
      scratch_types=[
          pltpu.VMEM((hch_v,), jnp.int32),
          pltpu.VMEM((hch_v,), jnp.int32),
          pltpu.VMEM((hch_v,), jnp.int32),
          pltpu.VMEM((n_pad,), jnp.float32),
          pltpu.VMEM((n_pad,), jnp.float32),
          pltpu.VMEM((lanes,), jnp.int32),
          pltpu.VMEM((ns * lanes,), jnp.int32),
          pltpu.VMEM_SHARED((ns * lanes,), jnp.int32),
          pltpu.SemaphoreType.DMA,
          pltpu.SemaphoreType.DMA,
          pltpu.SemaphoreType.DMA,
      ],
  )
  def sc_kernel(ei_hbm, min_out, degp_out, cntp_out,
                rowm2_v, rowh_v, colh_v, deg_v, cnt_v, stage_v, minall_v,
                min_shared, sem0, sem1, sem2):
    c = lax.axis_index("c")
    s = lax.axis_index("s")
    wid = s * nc + c
    wid2 = s * nc + (1 - c)

    cp_row = pltpu.make_async_copy(
        ei_hbm.at[pl.ds(wid * hch, hch)], rowh_v.at[pl.ds(0, hch)], sem1)
    cp_m2 = pltpu.make_async_copy(
        ei_hbm.at[pl.ds(wid2 * hch, hch)], rowm2_v.at[pl.ds(0, hch)], sem0)
    cp_col = pltpu.make_async_copy(
        ei_hbm.at[pl.ds(e + wid * hch, hch)], colh_v.at[pl.ds(0, hch)],
        sem2)
    cp_row.start()
    cp_m2.start()
    cp_col.start()

    zeros = jnp.zeros((lanes,), jnp.float32)

    @plsc.parallel_loop(0, n_pad // lanes, unroll=z_u)
    def _(i):
      deg_v[pl.ds(i * lanes, lanes)] = zeros
      cnt_v[pl.ds(i * lanes, lanes)] = zeros

    tail_mask = lax.iota(jnp.int32, lanes) < h_tail

    def chunk_min(ref, m):
      def min_body(i, m):
        return jnp.minimum(m, ref[pl.ds(i * lanes, lanes)])

      m = plsc.parallel_loop(0, h_full, unroll=min_u, carry=m)(min_body)
      if h_tail:
        tail = ref[pl.ds(h_full * lanes, lanes)]
        m = jnp.minimum(m, jnp.where(tail_mask, tail, _BIG))
      return m

    cp_row.wait()
    m = chunk_min(rowh_v, jnp.full((lanes,), _BIG, jnp.int32))
    cp_m2.wait()
    m = chunk_min(rowm2_v, m)
    stage_v[...] = m
    pltpu.sync_copy(stage_v, min_shared.at[pl.ds(s * lanes, lanes)])
    plsc.subcore_barrier()
    pltpu.sync_copy(min_shared, minall_v)

    def min_body2(i, m):
      return jnp.minimum(m, minall_v[pl.ds(i * lanes, lanes)])

    m = lax.fori_loop(0, ns, min_body2, m)
    idxv = jnp.full((lanes,), jnp.min(m), jnp.int32)

    cp_col.wait()
    garbage = jnp.full((lanes,), n_pad - 1, jnp.int32)

    def hist_step(base, valid=None):
      cvec = colh_v[pl.ds(base, lanes)]
      rvec = rowh_v[pl.ds(base, lanes)]
      if valid is not None:
        cvec = jnp.where(valid, cvec, garbage)
        rvec = jnp.where(valid, rvec, garbage)
      dcount, dlast = plsc.scan_count(cvec)
      plsc.addupdate_scatter(deg_v, [cvec], dcount.astype(jnp.float32),
                             mask=dlast)
      sidx = jnp.where(cvec == idxv, rvec, garbage)
      ccount, clast = plsc.scan_count(sidx)
      plsc.addupdate_scatter(cnt_v, [sidx], ccount.astype(jnp.float32),
                             mask=clast)

    @plsc.parallel_loop(0, h_full, unroll=h_u)
    def _(i):
      hist_step(i * lanes)
    if h_tail:
      hist_step(h_full * lanes, lax.iota(jnp.int32, lanes) < h_tail)

    wb_deg = pltpu.make_async_copy(deg_v, degp_out.at[wid], sem0)
    wb_cnt = pltpu.make_async_copy(cnt_v, cntp_out.at[wid], sem1)
    wb_deg.start()
    wb_cnt.start()
    wb_deg.wait()
    wb_cnt.wait()

    @pl.when(wid == 0)
    def _():
      stage_v[...] = idxv
      pltpu.sync_copy(stage_v, min_out)

  return sc_kernel


def _tc_body(n, minv_ref, degp_ref, cntp_ref, x_ref, w1_ref, b1_ref,
             wfc_ref, bfc_ref, o_ref):
  deg = jnp.sum(degp_ref[...], axis=0, keepdims=True)
  cnt = jnp.sum(cntp_ref[...], axis=0, keepdims=True)
  idx = jnp.min(minv_ref[...])
  n_pad = deg.shape[1]
  iota = lax.broadcasted_iota(jnp.int32, (1, n_pad), 1)
  deg_idx = jnp.sum(jnp.where(iota == idx, deg, 0.0))
  a = cnt * jnp.sqrt(deg) * jnp.sqrt(deg_idx)
  s = lax.dot_general(a[:, :n], x_ref[...],
                      (((1,), (0,)), ((), ())),
                      precision=lax.Precision.DEFAULT,
                      preferred_element_type=jnp.float32)
  row = lax.dot_general(s, w1_ref[...], (((1,), (1,)), ((), ())),
                        precision=lax.Precision.HIGHEST,
                        preferred_element_type=jnp.float32) + b1_ref[...]
  y = lax.dot_general(row, wfc_ref[...], (((1,), (1,)), ((), ())),
                      precision=lax.Precision.HIGHEST,
                      preferred_element_type=jnp.float32) + bfc_ref[...]
  o_ref[...] = y


def kernel(x, edge_index, edge_weight, W1, bias, Wfc, bfc):
  del edge_weight
  n, _ = x.shape
  e = edge_index.shape[1]
  info = plsc.get_sparse_core_info()
  nc, ns, lanes = info.num_cores, info.num_subcores, info.num_lanes
  n_pad = -(-(n + 1) // 512) * 512

  ei = edge_index.astype(jnp.int32).reshape(-1)
  minv, degp, cntp = _sc_histograms(e, n_pad, nc, ns, lanes)(ei)

  out = pl.pallas_call(
      functools.partial(_tc_body, n),
      out_shape=jax.ShapeDtypeStruct((1, bfc.shape[0]), jnp.float32),
  )(minv.reshape(1, lanes), degp, cntp, x, W1, bias.reshape(1, -1),
    Wfc, bfc.reshape(1, -1))
  return out.reshape(-1)

# --- scband reference (transcript-rebuilt; emitter-appended) ---
"""Pipeline reference for scband-ball-gcn-13219909337801 (READ-ONLY COPY).

The authoritative reference and input builder live on the scoring server;
editing this copy changes nothing except your own understanding.
"""

import jax, jax.numpy as jnp
import numpy as np

N = 10000
E = 160000
D = 256
H = 256
O = 256


def setup_inputs(seed: int = 0) -> dict:
    key = jax.random.key(seed)
    k_x, k_ei, k_ew, k_w1, k_wfc = jax.random.split(key, 5)
    x = jax.random.normal(k_x, (N, D), dtype=jnp.float32)
    edge_index = jax.random.randint(k_ei, (2, E), 0, N, dtype=jnp.int64)
    edge_weight = jax.random.normal(k_ew, (E,), dtype=jnp.float32)
    # learned params: conv1.lin (no bias), conv1.bias, fc weight/bias
    W1 = jax.random.normal(k_w1, (H, D), dtype=jnp.float32) * 0.05
    bias = jnp.zeros((H,), dtype=jnp.float32)
    Wfc = jax.random.normal(k_wfc, (O, H), dtype=jnp.float32) * 0.05
    bfc = jnp.zeros((O,), dtype=jnp.float32)
    return {"x": x, "edge_index": edge_index, "edge_weight": edge_weight,
            "W1": W1, "bias": bias, "Wfc": Wfc, "bfc": bfc}


def reference(x, edge_index, edge_weight, W1, bias, Wfc, bfc):
    # Dropout p=0.5 is identity in eval mode; omitted for determinism.
    # BallGCNConv.forward
    h = x @ W1.T  # lin, no bias
    row = edge_index[0]
    col = edge_index[1]
    n = x.shape[0]
    # degree(col, N)
    deg = jnp.zeros((n,), dtype=h.dtype).at[col].add(1.0)
    # NOTE: original code uses deg.pow(0.5) (not -0.5); faithful translation
    deg_inv_sqrt = jnp.sqrt(deg)
    deg_inv_sqrt = jnp.where(jnp.isinf(deg_inv_sqrt), 0.0, deg_inv_sqrt)
    norm = deg_inv_sqrt[row] * deg_inv_sqrt[col]
    # message: norm * x_j  (x_j = h[row]); aggr='add' scatter to col
    msg = norm[:, None] * h[row]
    out = jnp.zeros((n, h.shape[1]), dtype=h.dtype).at[col].add(msg)
    # edge_weight is passed but unused by message(), matching original
    # index_select with scalar index min(edge_index[0]) -> single row
    idx = jnp.min(row)
    out_row = out[idx] + bias
    out_row = jnp.squeeze(out_row)  # shape (H,)
    # fc
    y = out_row @ Wfc.T + bfc  # shape (O,)
    return y

if __name__ == "__main__":
    import jax
    _d = setup_inputs()
    print(jax.jit(kernel)(*tuple(_d.values())))

</pallas_src>

<mosaic_0001>
#map = affine_map<(d0, d1) -> (0)>
#map1 = affine_map<(d0, d1) -> (0, 0)>
module attributes {stable_mosaic.version = 14 : i64} {
  func.func @sc_kernel(%arg0: i32, %arg1: i32, %arg2: memref<320000xi32, #tpu.memory_space<hbm>>, %arg3: memref<16xi32, #tpu.memory_space<hbm>>, %arg4: memref<32x10240xf32, #tpu.memory_space<hbm>>, %arg5: memref<32x10240xf32, #tpu.memory_space<hbm>>, %arg6: memref<5008xi32, #tpu.memory_space<vmem>>, %arg7: memref<5008xi32, #tpu.memory_space<vmem>>, %arg8: memref<5008xi32, #tpu.memory_space<vmem>>, %arg9: memref<10240xf32, #tpu.memory_space<vmem>>, %arg10: memref<10240xf32, #tpu.memory_space<vmem>>, %arg11: memref<16xi32, #tpu.memory_space<vmem>>, %arg12: memref<256xi32, #tpu.memory_space<vmem>>, %arg13: memref<256xi32, #tpu.memory_space<vmem_shared>>, %arg14: memref<!tpu.dma_semaphore, #tpu.memory_space<semaphore_mem>>, %arg15: memref<!tpu.dma_semaphore, #tpu.memory_space<semaphore_mem>>, %arg16: memref<!tpu.dma_semaphore, #tpu.memory_space<semaphore_mem>>) attributes {dimension_semantics = [#tpu.dimension_semantics<core_parallel>, #tpu.dimension_semantics<subcore_parallel>], iteration_bounds = array<i64: 2, 16>, scalar_prefetch = 0 : i64, scratch_operands = 11 : i64, tpu.core_type = #tpu.core_type<sc_vector_subcore>, window_params = [{transform_indices = #map}, {transform_indices = #map}, {transform_indices = #map1}, {transform_indices = #map1}]} {
    %mul3A = arith.constant 2 : i32
    %mul3A_0 = arith.muli %arg1, %mul3A : i32
    %add3A = arith.addi %mul3A_0, %arg0 : i32
    %mul3A_1 = arith.constant 2 : i32
    %mul3A_2 = arith.muli %arg1, %mul3A_1 : i32
    %sub3A = arith.constant 1 : i32
    %sub3A_3 = arith.subi %sub3A, %arg0 : i32
    %add3A_4 = arith.addi %mul3A_2, %sub3A_3 : i32
    %mul3A_5 = arith.constant 5000 : i32
    %mul3A_6 = arith.muli %add3A, %mul3A_5 : i32
    %mul3A_7 = arith.constant 5000 : i32
    %mul3A_8 = arith.muli %add3A_4, %mul3A_7 : i32
    %mul3A_9 = arith.constant 5000 : i32
    %mul3A_10 = arith.muli %add3A, %mul3A_9 : i32
    %add3A_11 = arith.constant 160000 : i32
    %add3A_12 = arith.addi %add3A_11, %mul3A_10 : i32
    %dma_start3A = arith.constant 0 : i32
    %dma_start3A_13 = tpu.memref_slice %arg7[%dma_start3A] : memref<5008xi32, #tpu.memory_space<vmem>> -> memref<5000xi32, #tpu.memory_space<vmem>>
    %dma_start3A_14 = tpu.memref_slice %arg2[%mul3A_6] : memref<320000xi32, #tpu.memory_space<hbm>> -> memref<5000xi32, #tpu.memory_space<hbm>>
    %dma_start3A_15 = arith.constant 0 : i32
    %dma_start3A_16 = tpu.memref_slice %arg7[%dma_start3A_15] : memref<5008xi32, #tpu.memory_space<vmem>> -> memref<5000xi32, #tpu.memory_space<vmem>>
    %dma_start3A_17 = tpu.memref_slice %arg2[%mul3A_6] : memref<320000xi32, #tpu.memory_space<hbm>> -> memref<5000xi32, #tpu.memory_space<hbm>>
    tpu.enqueue_dma source(%dma_start3A_17 : memref<5000xi32, #tpu.memory_space<hbm>>) target(%dma_start3A_16 : memref<5000xi32, #tpu.memory_space<vmem>>) target_semaphore(%arg15 : memref<!tpu.dma_semaphore, #tpu.memory_space<semaphore_mem>>)
    %dma_start3A_18 = arith.constant 0 : i32
    %dma_start3A_19 = tpu.memref_slice %arg6[%dma_start3A_18] : memref<5008xi32, #tpu.memory_space<vmem>> -> memref<5000xi32, #tpu.memory_space<vmem>>
    %dma_start3A_20 = tpu.memref_slice %arg2[%mul3A_8] : memref<320000xi32, #tpu.memory_space<hbm>> -> memref<5000xi32, #tpu.memory_space<hbm>>
    %dma_start3A_21 = arith.constant 0 : i32
    %dma_start3A_22 = tpu.memref_slice %arg6[%dma_start3A_21] : memref<5008xi32, #tpu.memory_space<vmem>> -> memref<5000xi32, #tpu.memory_space<vmem>>
    %dma_start3A_23 = tpu.memref_slice %arg2[%mul3A_8] : memref<320000xi32, #tpu.memory_space<hbm>> -> memref<5000xi32, #tpu.memory_space<hbm>>
    tpu.enqueue_dma source(%dma_start3A_23 : memref<5000xi32, #tpu.memory_space<hbm>>) target(%dma_start3A_22 : memref<5000xi32, #tpu.memory_space<vmem>>) target_semaphore(%arg14 : memref<!tpu.dma_semaphore, #tpu.memory_space<semaphore_mem>>)
    %dma_start3A_24 = arith.constant 0 : i32
    %dma_start3A_25 = tpu.memref_slice %arg8[%dma_start3A_24] : memref<5008xi32, #tpu.memory_space<vmem>> -> memref<5000xi32, #tpu.memory_space<vmem>>
    %dma_start3A_26 = tpu.memref_slice %arg2[%add3A_12] : memref<320000xi32, #tpu.memory_space<hbm>> -> memref<5000xi32, #tpu.memory_space<hbm>>
    %dma_start3A_27 = arith.constant 0 : i32
    %dma_start3A_28 = tpu.memref_slice %arg8[%dma_start3A_27] : memref<5008xi32, #tpu.memory_space<vmem>> -> memref<5000xi32, #tpu.memory_space<vmem>>
    %dma_start3A_29 = tpu.memref_slice %arg2[%add3A_12] : memref<320000xi32, #tpu.memory_space<hbm>> -> memref<5000xi32, #tpu.memory_space<hbm>>
    tpu.enqueue_dma source(%dma_start3A_29 : memref<5000xi32, #tpu.memory_space<hbm>>) target(%dma_start3A_28 : memref<5000xi32, #tpu.memory_space<vmem>>) target_semaphore(%arg16 : memref<!tpu.dma_semaphore, #tpu.memory_space<semaphore_mem>>)
    %broadcast_in_dim3A = arith.constant 0.000000e+00 : f32
    %broadcast_in_dim3A_30 = vector.broadcast %broadcast_in_dim3A : f32 to vector<16xf32>
    %parallel_loop3A = arith.constant 0 : i32
    %parallel_loop3A_31 = arith.constant 640 : i32
    %parallel_loop3A_32 = arith.constant 1 : i32
    scf.for %parallel_loop3A_138 = %parallel_loop3A to %parallel_loop3A_31 step %parallel_loop3A_32  : i32 {
      %parallel_loop3A_139 = arith.constant 16 : i32
      %parallel_loop3A_140 = arith.muli %parallel_loop3A_138, %parallel_loop3A_139 : i32
      %parallel_loop3A_141 = arith.index_cast %parallel_loop3A_140 : i32 to index
      %parallel_loop3A_142 = tpu.vector_load %arg9[%parallel_loop3A_141] {strides = array<i32>} : memref<10240xf32, #tpu.memory_space<vmem>>, vector<16xf32>,
      tpu.vector_store %arg9[%parallel_loop3A_141], %broadcast_in_dim3A_30 {strides = array<i32>} : memref<10240xf32, #tpu.memory_space<vmem>>, vector<16xf32>,
      %parallel_loop3A_143 = arith.constant 16 : i32
      %parallel_loop3A_144 = arith.muli %parallel_loop3A_138, %parallel_loop3A_143 : i32
      %parallel_loop3A_145 = arith.index_cast %parallel_loop3A_144 : i32 to index
      %parallel_loop3A_146 = tpu.vector_load %arg10[%parallel_loop3A_145] {strides = array<i32>} : memref<10240xf32, #tpu.memory_space<vmem>>, vector<16xf32>,
      tpu.vector_store %arg10[%parallel_loop3A_145], %broadcast_in_dim3A_30 {strides = array<i32>} : memref<10240xf32, #tpu.memory_space<vmem>>, vector<16xf32>,
    } {sc.loop_unroll_factor = 8 : i64, sc.parallel_access}
    %iota3A = tpu.iota {dimensions = array<i32: 0>} : vector<16xi32>
    %lt3A = arith.constant 8 : i32
    %lt3A_33 = vector.broadcast %lt3A : i32 to vector<16xi32>
    %lt3A_34 = arith.cmpi slt, %iota3A, %lt3A_33 : vector<16xi32>
    %dma_wait3A = arith.constant 0 : i32
    %dma_wait3A_35 = tpu.memref_slice %arg7[%dma_wait3A] : memref<5008xi32, #tpu.memory_space<vmem>> -> memref<5000xi32, #tpu.memory_space<vmem>>
    %dma_wait3A_36 = tpu.memref_slice %arg2[%mul3A_6] : memref<320000xi32, #tpu.memory_space<hbm>> -> memref<5000xi32, #tpu.memory_space<hbm>>
    %dma_wait3A_37 = arith.constant 0 : i32
    %dma_wait3A_38 = tpu.memref_slice %arg7[%dma_wait3A_37] : memref<5008xi32, #tpu.memory_space<vmem>> -> memref<5000xi32, #tpu.memory_space<vmem>>
    %dma_wait3A_39 = tpu.memref_slice %arg2[%mul3A_6] : memref<320000xi32, #tpu.memory_space<hbm>> -> memref<5000xi32, #tpu.memory_space<hbm>>
    tpu.wait_dma2 semaphore(%arg15 : memref<!tpu.dma_semaphore, #tpu.memory_space<semaphore_mem>>) src(%dma_wait3A_39 : memref<5000xi32, #tpu.memory_space<hbm>>) dst(%dma_wait3A_38 : memref<5000xi32, #tpu.memory_space<vmem>>)
    %broadcast_in_dim3A_40 = arith.constant 1073741824 : i32
    %broadcast_in_dim3A_41 = vector.broadcast %broadcast_in_dim3A_40 : i32 to vector<16xi32>
    %parallel_loop3A_42 = arith.constant 0 : i32
    %parallel_loop3A_43 = arith.constant 312 : i32
    %parallel_loop3A_44 = arith.constant 1 : i32
    %parallel_loop3A_45 = scf.for %parallel_loop3A_138 = %parallel_loop3A_42 to %parallel_loop3A_43 step %parallel_loop3A_44 iter_args(%parallel_loop3A_139 = %broadcast_in_dim3A_41) -> (vector<16xi32>)  : i32 {
      %parallel_loop3A_140 = arith.constant 16 : i32
      %parallel_loop3A_141 = arith.muli %parallel_loop3A_138, %parallel_loop3A_140 : i32
      %parallel_loop3A_142 = arith.index_cast %parallel_loop3A_141 : i32 to index
      %parallel_loop3A_143 = tpu.vector_load %arg7[%parallel_loop3A_142] {strides = array<i32>} : memref<5008xi32, #tpu.memory_space<vmem>>, vector<16xi32>,
      %parallel_loop3A_144 = arith.minsi %parallel_loop3A_139, %parallel_loop3A_143 : vector<16xi32>
      scf.yield %parallel_loop3A_144 : vector<16xi32>
    } {sc.loop_unroll_factor = 8 : i64, sc.parallel_access}
    %get3A = arith.constant 4992 : index
    %get3A_46 = tpu.vector_load %arg7[%get3A] {strides = array<i32>} : memref<5008xi32, #tpu.memory_space<vmem>>, vector<16xi32>,
    %jit3A = arith.constant 1073741824 : i32
    %broadcast_in_dim3A_47 = vector.broadcast %jit3A : i32 to vector<16xi32>
    %select_n3A = arith.select %lt3A_34, %get3A_46, %broadcast_in_dim3A_47 : vector<16xi1>, vector<16xi32>
    %min3A = arith.minsi %parallel_loop3A_45, %select_n3A : vector<16xi32>
    %dma_wait3A_48 = arith.constant 0 : i32
    %dma_wait3A_49 = tpu.memref_slice %arg6[%dma_wait3A_48] : memref<5008xi32, #tpu.memory_space<vmem>> -> memref<5000xi32, #tpu.memory_space<vmem>>
    %dma_wait3A_50 = tpu.memref_slice %arg2[%mul3A_8] : memref<320000xi32, #tpu.memory_space<hbm>> -> memref<5000xi32, #tpu.memory_space<hbm>>
    %dma_wait3A_51 = arith.constant 0 : i32
    %dma_wait3A_52 = tpu.memref_slice %arg6[%dma_wait3A_51] : memref<5008xi32, #tpu.memory_space<vmem>> -> memref<5000xi32, #tpu.memory_space<vmem>>
    %dma_wait3A_53 = tpu.memref_slice %arg2[%mul3A_8] : memref<320000xi32, #tpu.memory_space<hbm>> -> memref<5000xi32, #tpu.memory_space<hbm>>
    tpu.wait_dma2 semaphore(%arg14 : memref<!tpu.dma_semaphore, #tpu.memory_space<semaphore_mem>>) src(%dma_wait3A_53 : memref<5000xi32, #tpu.memory_space<hbm>>) dst(%dma_wait3A_52 : memref<5000xi32, #tpu.memory_space<vmem>>)
    %parallel_loop3A_54 = arith.constant 0 : i32
    %parallel_loop3A_55 = arith.constant 312 : i32
    %parallel_loop3A_56 = arith.constant 1 : i32
    %parallel_loop3A_57 = scf.for %parallel_loop3A_138 = %parallel_loop3A_54 to %parallel_loop3A_55 step %parallel_loop3A_56 iter_args(%parallel_loop3A_139 = %min3A) -> (vector<16xi32>)  : i32 {
      %parallel_loop3A_140 = arith.constant 16 : i32
      %parallel_loop3A_141 = arith.muli %parallel_loop3A_138, %parallel_loop3A_140 : i32
      %parallel_loop3A_142 = arith.index_cast %parallel_loop3A_141 : i32 to index
      %parallel_loop3A_143 = tpu.vector_load %arg6[%parallel_loop3A_142] {strides = array<i32>} : memref<5008xi32, #tpu.memory_space<vmem>>, vector<16xi32>,
      %parallel_loop3A_144 = arith.minsi %parallel_loop3A_139, %parallel_loop3A_143 : vector<16xi32>
      scf.yield %parallel_loop3A_144 : vector<16xi32>
    } {sc.loop_unroll_factor = 8 : i64, sc.parallel_access}
    %get3A_58 = arith.constant 4992 : index
    %get3A_59 = tpu.vector_load %arg6[%get3A_58] {strides = array<i32>} : memref<5008xi32, #tpu.memory_space<vmem>>, vector<16xi32>,
    %jit3A_60 = arith.constant 1073741824 : i32
    %broadcast_in_dim3A_61 = vector.broadcast %jit3A_60 : i32 to vector<16xi32>
    %select_n3A_62 = arith.select %lt3A_34, %get3A_59, %broadcast_in_dim3A_61 : vector<16xi1>, vector<16xi32>
    %min3A_63 = arith.minsi %parallel_loop3A_57, %select_n3A_62 : vector<16xi32>
    %swap3A = arith.constant 0 : index
    %swap3A_64 = tpu.vector_load %arg11[%swap3A] {strides = array<i32>} : memref<16xi32, #tpu.memory_space<vmem>>, vector<16xi32>,
    tpu.vector_store %arg11[%swap3A], %min3A_63 {strides = array<i32>} : memref<16xi32, #tpu.memory_space<vmem>>, vector<16xi32>,
    %mul3A_65 = arith.constant 16 : i32
    %mul3A_66 = arith.muli %arg1, %mul3A_65 : i32
    "tpu.region"() ({
      %run_scoped3A = tpu.sem_alloc : memref<!tpu.dma_semaphore, #tpu.memory_space<semaphore_mem>>
      %dma_start3A_138 = tpu.memref_slice %arg13[%mul3A_66] : memref<256xi32, #tpu.memory_space<vmem_shared>> -> memref<16xi32, #tpu.memory_space<vmem_shared>>
      %dma_start3A_139 = tpu.memref_slice %arg13[%mul3A_66] : memref<256xi32, #tpu.memory_space<vmem_shared>> -> memref<16xi32, #tpu.memory_space<vmem_shared>>
      tpu.enqueue_dma source(%arg11 : memref<16xi32, #tpu.memory_space<vmem>>) target(%dma_start3A_139 : memref<16xi32, #tpu.memory_space<vmem_shared>>) target_semaphore(%run_scoped3A : memref<!tpu.dma_semaphore, #tpu.memory_space<semaphore_mem>>)
      %dma_wait3A_140 = tpu.memref_slice %arg13[%mul3A_66] : memref<256xi32, #tpu.memory_space<vmem_shared>> -> memref<16xi32, #tpu.memory_space<vmem_shared>>
      %dma_wait3A_141 = tpu.memref_slice %arg13[%mul3A_66] : memref<256xi32, #tpu.memory_space<vmem_shared>> -> memref<16xi32, #tpu.memory_space<vmem_shared>>
      tpu.wait_dma2 semaphore(%run_scoped3A : memref<!tpu.dma_semaphore, #tpu.memory_space<semaphore_mem>>) src(%arg11 : memref<16xi32, #tpu.memory_space<vmem>>) dst(%dma_wait3A_141 : memref<16xi32, #tpu.memory_space<vmem_shared>>)
      tpu.yield
    }) : () -> ()
    %barrier3A = arith.constant 0 : index
    tpu.barrier barrier_id(%barrier3A)
    "tpu.region"() ({
      %run_scoped3A = tpu.sem_alloc : memref<!tpu.dma_semaphore, #tpu.memory_space<semaphore_mem>>
      tpu.enqueue_dma source(%arg13 : memref<256xi32, #tpu.memory_space<vmem_shared>>) target(%arg12 : memref<256xi32, #tpu.memory_space<vmem>>) target_semaphore(%run_scoped3A : memref<!tpu.dma_semaphore, #tpu.memory_space<semaphore_mem>>)
      tpu.wait_dma2 semaphore(%run_scoped3A : memref<!tpu.dma_semaphore, #tpu.memory_space<semaphore_mem>>) src(%arg13 : memref<256xi32, #tpu.memory_space<vmem_shared>>) dst(%arg12 : memref<256xi32, #tpu.memory_space<vmem>>)
      tpu.yield
    }) : () -> ()
    %scan3A = arith.constant 0 : i32
    %scan3A_67 = arith.constant 16 : i32
    %scan3A_68 = arith.addi %scan3A, %scan3A_67 : i32
    %scan3A_69 = arith.constant 1 : i32
    %scan3A_70 = scf.for %scan3A_138 = %scan3A to %scan3A_68 step %scan3A_69 iter_args(%scan3A_139 = %min3A_63) -> (vector<16xi32>)  : i32 {
      %mul3A_140 = arith.constant 16 : i32
      %mul3A_141 = arith.muli %scan3A_138, %mul3A_140 : i32
      %get3A_142 = arith.index_cast %mul3A_141 : i32 to index
      %get3A_143 = tpu.vector_load %arg12[%get3A_142] {strides = array<i32>} : memref<256xi32, #tpu.memory_space<vmem>>, vector<16xi32>,
      %min3A_144 = arith.minsi %scan3A_139, %get3A_143 : vector<16xi32>
      scf.yield %min3A_144 : vector<16xi32>
    }
    %scan3A_71 = arith.constant 16 : i32
    %reduce_min3A = arith.constant true
    %reduce_min3A_72 = vector.broadcast %reduce_min3A : i1 to vector<16xi1>
    %reduce_min3A_73 = arith.constant -2147483648 : i32
    %reduce_min3A_74 = vector.broadcast %reduce_min3A_73 : i32 to vector<16xi32>
    %reduce_min3A_75 = arith.xori %scan3A_70, %reduce_min3A_74 : vector<16xi32>
    %reduce_min3A_76 = tpu.scan <min>, %reduce_min3A_75 masked %reduce_min3A_72 : vector<16xi32>, vector<16xi1> -> vector<16xi32>
    %reduce_min3A_77 = arith.xori %reduce_min3A_76, %reduce_min3A_74 : vector<16xi32>
    %reduce_min3A_78 = vector.extract %reduce_min3A_77[15] : i32 from vector<16xi32>
    %broadcast_in_dim3A_79 = vector.broadcast %reduce_min3A_78 : i32 to vector<16xi32>
    %dma_wait3A_80 = arith.constant 0 : i32
    %dma_wait3A_81 = tpu.memref_slice %arg8[%dma_wait3A_80] : memref<5008xi32, #tpu.memory_space<vmem>> -> memref<5000xi32, #tpu.memory_space<vmem>>
    %dma_wait3A_82 = tpu.memref_slice %arg2[%add3A_12] : memref<320000xi32, #tpu.memory_space<hbm>> -> memref<5000xi32, #tpu.memory_space<hbm>>
    %dma_wait3A_83 = arith.constant 0 : i32
    %dma_wait3A_84 = tpu.memref_slice %arg8[%dma_wait3A_83] : memref<5008xi32, #tpu.memory_space<vmem>> -> memref<5000xi32, #tpu.memory_space<vmem>>
    %dma_wait3A_85 = tpu.memref_slice %arg2[%add3A_12] : memref<320000xi32, #tpu.memory_space<hbm>> -> memref<5000xi32, #tpu.memory_space<hbm>>
    tpu.wait_dma2 semaphore(%arg16 : memref<!tpu.dma_semaphore, #tpu.memory_space<semaphore_mem>>) src(%dma_wait3A_85 : memref<5000xi32, #tpu.memory_space<hbm>>) dst(%dma_wait3A_84 : memref<5000xi32, #tpu.memory_space<vmem>>)
    %broadcast_in_dim3A_86 = arith.constant 10239 : i32
    %broadcast_in_dim3A_87 = vector.broadcast %broadcast_in_dim3A_86 : i32 to vector<16xi32>
    %parallel_loop3A_88 = arith.constant 0 : i32
    %parallel_loop3A_89 = arith.constant 312 : i32
    %parallel_loop3A_90 = arith.constant 1 : i32
    scf.for %parallel_loop3A_138 = %parallel_loop3A_88 to %parallel_loop3A_89 step %parallel_loop3A_90  : i32 {
      %parallel_loop3A_139 = arith.constant 16 : i32
      %parallel_loop3A_140 = arith.muli %parallel_loop3A_138, %parallel_loop3A_139 : i32
      %parallel_loop3A_141 = arith.index_cast %parallel_loop3A_140 : i32 to index
      %parallel_loop3A_142 = tpu.vector_load %arg8[%parallel_loop3A_141] {strides = array<i32>} : memref<5008xi32, #tpu.memory_space<vmem>>, vector<16xi32>,
      %parallel_loop3A_143 = arith.index_cast %parallel_loop3A_140 : i32 to index
      %parallel_loop3A_144 = tpu.vector_load %arg7[%parallel_loop3A_143] {strides = array<i32>} : memref<5008xi32, #tpu.memory_space<vmem>>, vector<16xi32>,
      %parallel_loop3A_145 = arith.constant true
      %parallel_loop3A_146 = vector.broadcast %parallel_loop3A_145 : i1 to vector<16xi1>
      %parallel_loop3A_147, %parallel_loop3A_148 = tpu.scan_count mask(%parallel_loop3A_146 : vector<16xi1>) value(%parallel_loop3A_142 : vector<16xi32>) : vector<16xi1>, vector<16xi32>
      %parallel_loop3A_149 = arith.sitofp %parallel_loop3A_148 : vector<16xi32> to vector<16xf32>
      tpu.vector_store_idx %arg9[%parallel_loop3A_142], %parallel_loop3A_149 masked %parallel_loop3A_147 {add = true} : memref<10240xf32, #tpu.memory_space<vmem>>[vector<16xi32>], vector<16xf32>, vector<16xi1>
      %parallel_loop3A_150 = arith.cmpi eq, %parallel_loop3A_142, %broadcast_in_dim3A_79 : vector<16xi32>
      %parallel_loop3A_151 = arith.select %parallel_loop3A_150, %parallel_loop3A_144, %broadcast_in_dim3A_87 : vector<16xi1>, vector<16xi32>
      %parallel_loop3A_152 = arith.constant true
      %parallel_loop3A_153 = vector.broadcast %parallel_loop3A_152 : i1 to vector<16xi1>
      %parallel_loop3A_154, %parallel_loop3A_155 = tpu.scan_count mask(%parallel_loop3A_153 : vector<16xi1>) value(%parallel_loop3A_151 : vector<16xi32>) : vector<16xi1>, vector<16xi32>
      %parallel_loop3A_156 = arith.sitofp %parallel_loop3A_155 : vector<16xi32> to vector<16xf32>
      tpu.vector_store_idx %arg10[%parallel_loop3A_151], %parallel_loop3A_156 masked %parallel_loop3A_154 {add = true} : memref<10240xf32, #tpu.memory_space<vmem>>[vector<16xi32>], vector<16xf32>, vector<16xi1>
    } {sc.loop_unroll_factor = 8 : i64, sc.parallel_access}
    %iota3A_91 = tpu.iota {dimensions = array<i32: 0>} : vector<16xi32>
    %lt3A_92 = arith.constant 8 : i32
    %lt3A_93 = vector.broadcast %lt3A_92 : i32 to vector<16xi32>
    %lt3A_94 = arith.cmpi slt, %iota3A_91, %lt3A_93 : vector<16xi32>
    %get3A_95 = arith.constant 4992 : index
    %get3A_96 = tpu.vector_load %arg8[%get3A_95] {strides = array<i32>} : memref<5008xi32, #tpu.memory_space<vmem>>, vector<16xi32>,
    %get3A_97 = arith.constant 4992 : index
    %get3A_98 = tpu.vector_load %arg7[%get3A_97] {strides = array<i32>} : memref<5008xi32, #tpu.memory_space<vmem>>, vector<16xi32>,
    %select_n3A_99 = arith.select %lt3A_94, %get3A_96, %broadcast_in_dim3A_87 : vector<16xi1>, vector<16xi32>
    %select_n3A_100 = arith.select %lt3A_94, %get3A_98, %broadcast_in_dim3A_87 : vector<16xi1>, vector<16xi32>
    %broadcast_in_dim3A_101 = arith.constant true
    %broadcast_in_dim3A_102 = vector.broadcast %broadcast_in_dim3A_101 : i1 to vector<16xi1>
    %unique3A, %unique3A_103 = tpu.scan_count mask(%broadcast_in_dim3A_102 : vector<16xi1>) value(%select_n3A_99 : vector<16xi32>) : vector<16xi1>, vector<16xi32>
    %convert_element_type3A = arith.sitofp %unique3A_103 : vector<16xi32> to vector<16xf32>
    tpu.vector_store_idx %arg9[%select_n3A_99], %convert_element_type3A masked %unique3A {add = true} : memref<10240xf32, #tpu.memory_space<vmem>>[vector<16xi32>], vector<16xf32>, vector<16xi1>
    %eq3A = arith.cmpi eq, %select_n3A_99, %broadcast_in_dim3A_79 : vector<16xi32>
    %select_n3A_104 = arith.select %eq3A, %select_n3A_100, %broadcast_in_dim3A_87 : vector<16xi1>, vector<16xi32>
    %broadcast_in_dim3A_105 = arith.constant true
    %broadcast_in_dim3A_106 = vector.broadcast %broadcast_in_dim3A_105 : i1 to vector<16xi1>
    %unique3A_107, %unique3A_108 = tpu.scan_count mask(%broadcast_in_dim3A_106 : vector<16xi1>) value(%select_n3A_104 : vector<16xi32>) : vector<16xi1>, vector<16xi32>
    %convert_element_type3A_109 = arith.sitofp %unique3A_108 : vector<16xi32> to vector<16xf32>
    tpu.vector_store_idx %arg10[%select_n3A_104], %convert_element_type3A_109 masked %unique3A_107 {add = true} : memref<10240xf32, #tpu.memory_space<vmem>>[vector<16xi32>], vector<16xf32>, vector<16xi1>
    %dma_start3A_110 = arith.constant 0 : i32
    %dma_start3A_111 = tpu.memref_slice %arg4[%add3A, %dma_start3A_110] : memref<32x10240xf32, #tpu.memory_space<hbm>> -> memref<1x10240xf32, #tpu.memory_space<hbm>>
    %dma_start3A_112 = tpu.memref_squeeze %dma_start3A_111 : memref<1x10240xf32, #tpu.memory_space<hbm>> -> memref<10240xf32, #tpu.memory_space<hbm>>
    %dma_start3A_113 = arith.constant 0 : i32
    %dma_start3A_114 = tpu.memref_slice %arg4[%add3A, %dma_start3A_113] : memref<32x10240xf32, #tpu.memory_space<hbm>> -> memref<1x10240xf32, #tpu.memory_space<hbm>>
    %dma_start3A_115 = tpu.memref_squeeze %dma_start3A_114 : memref<1x10240xf32, #tpu.memory_space<hbm>> -> memref<10240xf32, #tpu.memory_space<hbm>>
    tpu.enqueue_dma source(%arg9 : memref<10240xf32, #tpu.memory_space<vmem>>) target(%dma_start3A_115 : memref<10240xf32, #tpu.memory_space<hbm>>) target_semaphore(%arg14 : memref<!tpu.dma_semaphore, #tpu.memory_space<semaphore_mem>>)
    %dma_start3A_116 = arith.constant 0 : i32
    %dma_start3A_117 = tpu.memref_slice %arg5[%add3A, %dma_start3A_116] : memref<32x10240xf32, #tpu.memory_space<hbm>> -> memref<1x10240xf32, #tpu.memory_space<hbm>>
    %dma_start3A_118 = tpu.memref_squeeze %dma_start3A_117 : memref<1x10240xf32, #tpu.memory_space<hbm>> -> memref<10240xf32, #tpu.memory_space<hbm>>
    %dma_start3A_119 = arith.constant 0 : i32
    %dma_start3A_120 = tpu.memref_slice %arg5[%add3A, %dma_start3A_119] : memref<32x10240xf32, #tpu.memory_space<hbm>> -> memref<1x10240xf32, #tpu.memory_space<hbm>>
    %dma_start3A_121 = tpu.memref_squeeze %dma_start3A_120 : memref<1x10240xf32, #tpu.memory_space<hbm>> -> memref<10240xf32, #tpu.memory_space<hbm>>
    tpu.enqueue_dma source(%arg10 : memref<10240xf32, #tpu.memory_space<vmem>>) target(%dma_start3A_121 : memref<10240xf32, #tpu.memory_space<hbm>>) target_semaphore(%arg15 : memref<!tpu.dma_semaphore, #tpu.memory_space<semaphore_mem>>)
    %dma_wait3A_122 = arith.constant 0 : i32
    %dma_wait3A_123 = tpu.memref_slice %arg4[%add3A, %dma_wait3A_122] : memref<32x10240xf32, #tpu.memory_space<hbm>> -> memref<1x10240xf32, #tpu.memory_space<hbm>>
    %dma_wait3A_124 = tpu.memref_squeeze %dma_wait3A_123 : memref<1x10240xf32, #tpu.memory_space<hbm>> -> memref<10240xf32, #tpu.memory_space<hbm>>
    %dma_wait3A_125 = arith.constant 0 : i32
    %dma_wait3A_126 = tpu.memref_slice %arg4[%add3A, %dma_wait3A_125] : memref<32x10240xf32, #tpu.memory_space<hbm>> -> memref<1x10240xf32, #tpu.memory_space<hbm>>
    %dma_wait3A_127 = tpu.memref_squeeze %dma_wait3A_126 : memref<1x10240xf32, #tpu.memory_space<hbm>> -> memref<10240xf32, #tpu.memory_space<hbm>>
    tpu.wait_dma2 semaphore(%arg14 : memref<!tpu.dma_semaphore, #tpu.memory_space<semaphore_mem>>) src(%arg9 : memref<10240xf32, #tpu.memory_space<vmem>>) dst(%dma_wait3A_127 : memref<10240xf32, #tpu.memory_space<hbm>>)
    %dma_wait3A_128 = arith.constant 0 : i32
    %dma_wait3A_129 = tpu.memref_slice %arg5[%add3A, %dma_wait3A_128] : memref<32x10240xf32, #tpu.memory_space<hbm>> -> memref<1x10240xf32, #tpu.memory_space<hbm>>
    %dma_wait3A_130 = tpu.memref_squeeze %dma_wait3A_129 : memref<1x10240xf32, #tpu.memory_space<hbm>> -> memref<10240xf32, #tpu.memory_space<hbm>>
    %dma_wait3A_131 = arith.constant 0 : i32
    %dma_wait3A_132 = tpu.memref_slice %arg5[%add3A, %dma_wait3A_131] : memref<32x10240xf32, #tpu.memory_space<hbm>> -> memref<1x10240xf32, #tpu.memory_space<hbm>>
    %dma_wait3A_133 = tpu.memref_squeeze %dma_wait3A_132 : memref<1x10240xf32, #tpu.memory_space<hbm>> -> memref<10240xf32, #tpu.memory_space<hbm>>
    tpu.wait_dma2 semaphore(%arg15 : memref<!tpu.dma_semaphore, #tpu.memory_space<semaphore_mem>>) src(%arg10 : memref<10240xf32, #tpu.memory_space<vmem>>) dst(%dma_wait3A_133 : memref<10240xf32, #tpu.memory_space<hbm>>)
    %eq3A_134 = arith.constant 0 : i32
    %eq3A_135 = arith.cmpi eq, %add3A, %eq3A_134 : i32
    %convert_element_type3A_136 = arith.extui %eq3A_135 : i1 to i32
    %cond3A = arith.constant 0 : i32
    %cond3A_137 = arith.cmpi ne, %convert_element_type3A_136, %cond3A : i32
    scf.if %cond3A_137 {
      %swap3A_138 = arith.constant 0 : index
      %swap3A_139 = tpu.vector_load %arg11[%swap3A_138] {strides = array<i32>} : memref<16xi32, #tpu.memory_space<vmem>>, vector<16xi32>,
      tpu.vector_store %arg11[%swap3A_138], %broadcast_in_dim3A_79 {strides = array<i32>} : memref<16xi32, #tpu.memory_space<vmem>>, vector<16xi32>,
      "tpu.region"() ({
        %run_scoped3A = tpu.sem_alloc : memref<!tpu.dma_semaphore, #tpu.memory_space<semaphore_mem>>
        tpu.enqueue_dma source(%arg11 : memref<16xi32, #tpu.memory_space<vmem>>) target(%arg3 : memref<16xi32, #tpu.memory_space<hbm>>) target_semaphore(%run_scoped3A : memref<!tpu.dma_semaphore, #tpu.memory_space<semaphore_mem>>)
        tpu.wait_dma2 semaphore(%run_scoped3A : memref<!tpu.dma_semaphore, #tpu.memory_space<semaphore_mem>>) src(%arg11 : memref<16xi32, #tpu.memory_space<vmem>>) dst(%arg3 : memref<16xi32, #tpu.memory_space<hbm>>)
        tpu.yield
      }) : () -> ()
    } else {
    }
    return
  }
}

module attributes {stable_mosaic.version = 14 : i64} {
  func.func @_tc_body(%arg0: memref<1x16xi32, #tpu.memory_space<vmem>>, %arg1: memref<32x10240xf32, #tpu.memory_space<vmem>>, %arg2: memref<32x10240xf32, #tpu.memory_space<vmem>>, %arg3: memref<10000x256xf32, #tpu.memory_space<vmem>>, %arg4: memref<256x256xf32, #tpu.memory_space<vmem>>, %arg5: memref<1x256xf32, #tpu.memory_space<vmem>>, %arg6: memref<256x256xf32, #tpu.memory_space<vmem>>, %arg7: memref<1x256xf32, #tpu.memory_space<vmem>>, %arg8: memref<1x256xf32, #tpu.memory_space<vmem>>) attributes {dimension_semantics = [], scalar_prefetch = 0 : i64, scratch_operands = 0 : i64, tpu.core_type = #tpu.core_type<tc>} {
    %get3A = arith.constant 0 : index
    %get3A_0 = arith.constant 0 : index
    %get3A_1 = vector.load %arg1[%get3A, %get3A_0] : memref<32x10240xf32, #tpu.memory_space<vmem>>, vector<32x10240xf32>
    %reduce_sum3A = arith.constant dense<0.000000e+00> : vector<10240xf32>
    %reduce_sum3A_2 = vector.multi_reduction <add>, %get3A_1, %reduce_sum3A [0] : vector<32x10240xf32> to vector<10240xf32>
    %broadcast_in_dim3A = vector.shape_cast %reduce_sum3A_2 : vector<10240xf32> to vector<1x10240xf32>
    %get3A_3 = arith.constant 0 : index
    %get3A_4 = arith.constant 0 : index
    %get3A_5 = vector.load %arg2[%get3A_3, %get3A_4] : memref<32x10240xf32, #tpu.memory_space<vmem>>, vector<32x10240xf32>
    %reduce_sum3A_6 = arith.constant dense<0.000000e+00> : vector<10240xf32>
    %reduce_sum3A_7 = vector.multi_reduction <add>, %get3A_5, %reduce_sum3A_6 [0] : vector<32x10240xf32> to vector<10240xf32>
    %broadcast_in_dim3A_8 = vector.shape_cast %reduce_sum3A_7 : vector<10240xf32> to vector<1x10240xf32>
    %get3A_9 = arith.constant 0 : index
    %get3A_10 = arith.constant 0 : index
    %get3A_11 = vector.load %arg0[%get3A_9, %get3A_10] : memref<1x16xi32, #tpu.memory_space<vmem>>, vector<1x16xi32>
    %reduce_min3A = vector.shape_cast %get3A_11 : vector<1x16xi32> to vector<1x1x16xi32>
    %reduce_min3A_12 = arith.constant dense<2147483647> : vector<1xi32>
    %reduce_min3A_13 = vector.multi_reduction <minsi>, %reduce_min3A, %reduce_min3A_12 [1, 2] : vector<1x1x16xi32> to vector<1xi32>
    %reduce_min3A_14 = vector.shape_cast %reduce_min3A_13 : vector<1xi32> to vector<1x1x1xi32>
    %reduce_min3A_15 = vector.extract %reduce_min3A_14[0, 0, 0] : i32 from vector<1x1x1xi32>
    %iota3A = tpu.iota {dimensions = array<i32: 1>} : vector<1x10240xi32>
    %eq3A = vector.broadcast %reduce_min3A_15 : i32 to vector<1x10240xi32>
    %eq3A_16 = arith.cmpi eq, %iota3A, %eq3A : vector<1x10240xi32>
    %jit3A = arith.constant 0.000000e+00 : f32
    %broadcast_in_dim3A_17 = vector.broadcast %jit3A : f32 to vector<1x10240xf32>
    %select_n3A = arith.select %eq3A_16, %broadcast_in_dim3A, %broadcast_in_dim3A_17 : vector<1x10240xi1>, vector<1x10240xf32>
    %reduce_sum3A_18 = vector.shape_cast %select_n3A : vector<1x10240xf32> to vector<1x1x10240xf32>
    %reduce_sum3A_19 = arith.constant dense<0.000000e+00> : vector<1xf32>
    %reduce_sum3A_20 = vector.multi_reduction <add>, %reduce_sum3A_18, %reduce_sum3A_19 [1, 2] : vector<1x1x10240xf32> to vector<1xf32>
    %reduce_sum3A_21 = vector.shape_cast %reduce_sum3A_20 : vector<1xf32> to vector<1x1x1xf32>
    %reduce_sum3A_22 = vector.extract %reduce_sum3A_21[0, 0, 0] : f32 from vector<1x1x1xf32>
    %sqrt3A = math.sqrt %broadcast_in_dim3A : vector<1x10240xf32>
    %mul3A = arith.mulf %broadcast_in_dim3A_8, %sqrt3A : vector<1x10240xf32>
    %sqrt3A_23 = math.sqrt %reduce_sum3A_22 : f32
    %mul3A_24 = vector.broadcast %sqrt3A_23 : f32 to vector<1x10240xf32>
    %mul3A_25 = arith.mulf %mul3A, %mul3A_24 : vector<1x10240xf32>
    %slice3A = vector.extract_strided_slice %mul3A_25 {offsets = [0, 0], sizes = [1, 10000], strides = [1, 1]} : vector<1x10240xf32> to vector<1x10000xf32>
    %get3A_26 = arith.constant 0 : index
    %get3A_27 = arith.constant 0 : index
    %get3A_28 = vector.load %arg3[%get3A_26, %get3A_27] : memref<10000x256xf32, #tpu.memory_space<vmem>>, vector<10000x256xf32>
    %dot_general3A = arith.constant dense<0.000000e+00> : vector<1x256xf32>
    %dot_general3A_29 = tpu.matmul %slice3A, %get3A_28, %dot_general3A {dimension_numbers = #tpu.dot_dimension_numbers<[1], [0], [0], [1], [0, 0, 1, 1], [], []>, transpose_lhs_hint = false} : vector<1x10000xf32>, vector<10000x256xf32>, vector<1x256xf32> -> vector<1x256xf32>
    %get3A_30 = arith.constant 0 : index
    %get3A_31 = arith.constant 0 : index
    %get3A_32 = vector.load %arg4[%get3A_30, %get3A_31] : memref<256x256xf32, #tpu.memory_space<vmem>>, vector<256x256xf32>
    %dot_general3A_33 = arith.constant dense<0.000000e+00> : vector<1x256xf32>
    %dot_general3A_34 = tpu.matmul %dot_general3A_29, %get3A_32, %dot_general3A_33 {dimension_numbers = #tpu.dot_dimension_numbers<[1], [1], [0], [0], [0, 0, 1, 0], [], []>, precision = #tpu.contract_precision<fp32>, transpose_lhs_hint = false} : vector<1x256xf32>, vector<256x256xf32>, vector<1x256xf32> -> vector<1x256xf32>
    %get3A_35 = arith.constant 0 : index
    %get3A_36 = arith.constant 0 : index
    %get3A_37 = vector.load %arg5[%get3A_35, %get3A_36] : memref<1x256xf32, #tpu.memory_space<vmem>>, vector<1x256xf32>
    %add3A = arith.addf %dot_general3A_34, %get3A_37 : vector<1x256xf32>
    %get3A_38 = arith.constant 0 : index
    %get3A_39 = arith.constant 0 : index
    %get3A_40 = vector.load %arg6[%get3A_38, %get3A_39] : memref<256x256xf32, #tpu.memory_space<vmem>>, vector<256x256xf32>
    %dot_general3A_41 = arith.constant dense<0.000000e+00> : vector<1x256xf32>
    %dot_general3A_42 = tpu.matmul %add3A, %get3A_40, %dot_general3A_41 {dimension_numbers = #tpu.dot_dimension_numbers<[1], [1], [0], [0], [0, 0, 1, 0], [], []>, precision = #tpu.contract_precision<fp32>, transpose_lhs_hint = false} : vector<1x256xf32>, vector<256x256xf32>, vector<1x256xf32> -> vector<1x256xf32>
    %get3A_43 = arith.constant 0 : index
    %get3A_44 = arith.constant 0 : index
    %get3A_45 = vector.load %arg7[%get3A_43, %get3A_44] : memref<1x256xf32, #tpu.memory_space<vmem>>, vector<1x256xf32>
    %add3A_46 = arith.addf %dot_general3A_42, %get3A_45 : vector<1x256xf32>
    %swap3A = arith.constant 0 : index
    %swap3A_47 = arith.constant 0 : index
    %swap3A_48 = vector.load %arg8[%swap3A, %swap3A_47] : memref<1x256xf32, #tpu.memory_space<vmem>>, vector<1x256xf32>
    tpu.vector_store %arg8[%swap3A, %swap3A_47], %add3A_46 {strides = array<i32>} : memref<1x256xf32, #tpu.memory_space<vmem>>, vector<1x256xf32>,
    return
  }
}

</mosaic_0001>

<sc_bundles>
// kernel: kernel.4.cloned.1.call-start
scs
__scs_entry_jumppad:
0x0: {  	(pc) =	sbr.rel $0x88, $3  }
0x1: {  	(tag) =	ssettag $0x0;
	lr =	simm.s32 $0x1  }
0x2: {  	[smem:$0x3F9B] =	sst lr;
	_ =	strace $0xD0000000  }
0x3: {  	_ = 	snop  }
0x4: {  	_ = 	snop  }
0x5: {  	_ = 	snop  }
0x6: {  	_ = 	snop  }
0x7: {  	_ = 	snop  }
__scs_overlays_trampoline_lowered:
0x8: {  	[smem:$0x3FAA] =	sst s0  }
0x9: {  	[smem:$0x3FAB] =	sst s1  }
0xa: {  	[smem:$0x3FAC] =	sst s2  }
0xb: {  	[smem:$0x3FAD] =	sst s3  }
0xc: {  	[smem:$0x3FAE] =	sst s4  }
0xd: {  	[smem:$0x3FAF] =	sst s5  }
0xe: {  	[smem:$0x3FB0] =	sst s6  }
0xf: {  	[smem:$0x3FB1] =	sst s7  }
0x10: {  	[smem:$0x3FB2] =	sst s8  }
0x11: {  	[smem:$0x3FB3] =	sst s9;
	s0 =	simm.s32 @!p0 $0x0  }
0x12: {  	s1 =	sld [smem:$0x3F99];
	s0 =	simm.s32 @p0 $0x1  }
0x13: {  	[smem:$0x3FB4] =	sst s0;
	s0 =	simm.s32 @!p1 $0x0  }
0x14: {  	s2 =	sld [smem:$0x3F98];
	s0 =	simm.s32 @p1 $0x1  }
0x15: {  	[smem:$0x3FB5] =	sst s0;
	s0 =	simm.s32 @!p2 $0x0  }
0x16: {  	s3 =	sld [smem:$0x3FDB];
	s0 =	simm.s32 @p2 $0x1  }
0x17: {  	s4 =	simm.s32 $0x1BF5;
	[smem:$0x3FB7] =	sst s0  }
0x18: {  	s0 =	sld [smem:$0x3F9A];
	_ =	swait.ge [sflag:s4], $0x0  }
0x19: {  	s7 =	sld [smem:$0x3F9B]  }
0x1a: {  	s8 =	sadd.s32 $0xFFFFE003, lr  }
0x1b: {  	s9 =	sadd.s32 $0xFFFFFEF7, lr;
	s5 =	simm.s32 $0xFFFFFFFF;
	p2 =	slt.u32 s8, $0xFFFFF086  }
0x1c: {  	p1 =	slt.u32 s9, $0xF7A;
	s5 =	simm.s32 @!p2 $0x0  }
0x1d: {  	s5 =	simm.s32 @p1 $0x1;
	p0 =	seq.s32 s7, s2  }
0x1e: {  	s7 =	smul.u32 @!p0 $0xF7A, s2;
	p2 =	seq.s32 @!p0 s5, $0x0  }
0x1f: {  	s9 =	smul.u32 $0xF7A, s1;
	s8 =	simm.s32 @!p0 $0x1BF5;
	p2 =	por !p2, p0  }
0x20: {  	[sflag:s8] =	ssyncset.s32 @!p0 $0xFFFFF086;
	s6 =	sadd.s32 @!p0 s3, s7;
	s7 =	simm.s32 @!p0 $0x108  }
0x21: {  	s3 =	sadd.s32 s3, s9;
	s6 =	sadd.s32 @!p0 $0x88, s6;
	s7 =	simm.s32 @p2 $0x1082  }
0x22: {  	[simem:s7], [sflag:s8] =	dma.local @!p0 [hbm:s6], $0xF7A  }
0x23: {  	s9 =	sor.u32 $0xD0000000, s2;
	s6 =	simm.s32 $0x108;
	_ =	swait.ge @!p0 [sflag:s8], $0x0  }
0x24: {  	s3 =	sadd.s32 $0x88, s3;
	s6 =	simm.s32 @!p1 $0x1082;
	[sflag:s4] =	ssyncset.s32 $0xFFFFF086  }
0x25: {  	[simem:s6], [sflag:s4] =	dma.local [hbm:s3], $0xF7A  }
0x26: {  	[smem:$0x3F9B] =	sst s1;
	(tag) =	ssettag s2;
	_ =	strace s9  }
0x27: {  	s1 =	sld [smem:$0x3FAB]  }
0x28: {  	s2 =	sld [smem:$0x3FAC]  }
0x29: {  	s4 =	sld [smem:$0x3FAE]  }
0x2a: {  	p0 =	seq.s32 s5, $0x0;
	s5 =	sld [smem:$0x3FAF]  }
0x2b: {  	s6 =	sld [smem:$0x3FB0]  }
0x2c: {  	s7 =	sld [smem:$0x3FB1]  }
0x2d: {  	s3 =	simm.s32 $0x108;
	s8 =	sld [smem:$0x3FB2]  }
0x2e: {  	s3 =	simm.s32 @!p0 $0x1082;
	s9 =	sld [smem:$0x3FB3]  }
0x2f: {  	lr =	sadd.s32 s0, s3;
	s0 =	sld [smem:$0x3FAA]  }
0x30: {  	s3 =	sld [smem:$0x3FAD]  }
0x31: {  	[smem:$0x3FB6] =	sst s10  }
0x32: {  	s10 =	sld [smem:$0x3FB4];
	_ =	sdelay $0x3  }
0x33: {  	p0 =	seq.s32 s10, $0x1;
	s10 =	sld [smem:$0x3FB6];
	_ =	sdelay $0x3  }
0x34: {  	[smem:$0x3FB6] =	sst s10  }
0x35: {  	s10 =	sld [smem:$0x3FB5];
	_ =	sdelay $0x3  }
0x36: {  	p1 =	seq.s32 s10, $0x1;
	s10 =	sld [smem:$0x3FB6];
	_ =	sdelay $0x3  }
0x37: {  	[smem:$0x3FB6] =	sst s10  }
0x38: {  	s10 =	sld [smem:$0x3FB7]  }
0x39: {  	_ = 	snop;
	(pc) =	sbr.ind lr, $3  }
0x3a: {  	_ = 	snop  }
0x3b: {  	_ = 	snop  }
0x3c: {  	p2 =	seq.s32 s10, $0x1;
	s10 =	sld [smem:$0x3FB6]  }
0x3d: {  	_ =	shalt  }
0x3e: {  	_ =	shalt  }
0x3f: {  	_ =	shalt  }
0x40: {  	_ =	shalt  }
0x41: {  	_ =	shalt  }
0x42: {  	_ =	shalt  }
0x43: {  	_ =	shalt  }
0x44: {  	_ =	shalt  }
0x45: {  	_ =	shalt  }
0x46: {  	_ =	shalt  }
0x47: {  	_ =	shalt  }
0x48: {  	_ =	shalt  }
0x49: {  	_ =	shalt  }
0x4a: {  	_ =	shalt  }
0x4b: {  	_ =	shalt  }
0x4c: {  	_ =	shalt  }
0x4d: {  	_ =	shalt  }
0x4e: {  	_ =	shalt  }
0x4f: {  	_ =	shalt  }
0x50: {  	_ =	shalt  }
0x51: {  	_ =	shalt  }
0x52: {  	_ =	shalt  }
0x53: {  	_ =	shalt  }
0x54: {  	_ =	shalt  }
0x55: {  	_ =	shalt  }
0x56: {  	_ =	shalt  }
0x57: {  	_ =	shalt  }
0x58: {  	_ =	shalt  }
0x59: {  	_ =	shalt  }
0x5a: {  	_ =	shalt  }
0x5b: {  	_ =	shalt  }
0x5c: {  	_ =	shalt  }
0x5d: {  	_ =	shalt  }
0x5e: {  	_ =	shalt  }
0x5f: {  	_ =	shalt  }
0x60: {  	_ =	shalt  }
0x61: {  	_ =	shalt  }
0x62: {  	_ =	shalt  }
0x63: {  	_ =	shalt  }
0x64: {  	_ =	shalt  }
0x65: {  	_ =	shalt  }
0x66: {  	_ =	shalt  }
0x67: {  	_ =	shalt  }
0x68: {  	_ =	shalt  }
0x69: {  	_ =	shalt  }
0x6a: {  	_ =	shalt  }
0x6b: {  	_ =	shalt  }
0x6c: {  	_ =	shalt  }
0x6d: {  	_ =	shalt  }
0x6e: {  	_ =	shalt  }
0x6f: {  	_ =	shalt  }
0x70: {  	_ =	shalt  }
0x71: {  	_ =	shalt  }
0x72: {  	_ =	shalt  }
0x73: {  	_ =	shalt  }
0x74: {  	_ =	shalt  }
0x75: {  	_ =	shalt  }
0x76: {  	_ =	shalt  }
0x77: {  	_ =	shalt  }
0x78: {  	_ =	shalt  }
0x79: {  	_ =	shalt  }
0x7a: {  	_ =	shalt  }
0x7b: {  	_ =	shalt  }
0x7c: {  	_ =	shalt  }
0x7d: {  	_ =	shalt  }
0x7e: {  	_ =	shalt  }
0x7f: {  	_ =	shalt  }
0x80: {  	_ =	shalt  }
0x81: {  	_ =	shalt  }
0x82: {  	_ =	shalt  }
0x83: {  	_ =	shalt  }
0x84: {  	_ =	shalt  }
0x85: {  	_ =	shalt  }
0x86: {  	_ =	shalt  }
0x87: {  	_ =	shalt  }
.Lfunc_end0:
.L_simem_size_0:
called_computation_lowered:
.L_overlay_start_0:
0x88: {  	s2 =	sld [smem:$0x3FD9]  }
0x89: {  	s3 =	sld [smem:$0x3FFE];
	_ =	sdelay $0x1  }
0x8a: {  	s1 =	srdreg.scid  }
0x8b: {  	s0 =	sand.u32 $0x1, s1  }
0x8c: {  	s17 =	sshll.u32 s0, $0xA;
	s2 =	sadd.s32 s3, s2  }
0x8d: {  	s2 =	sadd.s32 s2, s17  }
0x8e: {  	[smem:$0x3FC2] =	sst s2  }
0x8f: {  	_ = 	snop  }
0x90: {  	s2 =	sld [smem:$0x3FD0];
	(tm) =	ssettm $0x1  }
0x91: {  	s18 =	sld [smem:$0x3FFB];
	_ =	sdelay $0x3  }
0x92: {  	_ =	strace s18  }
0x93: {  	s3 =	sld [smem:$0x3FFC];
	_ =	sdelay $0x3  }
0x94: {  	_ =	strace s3  }
0x95: {  	s3 =	sld [smem:$0x3FFD];
	_ =	sdelay $0x3  }
0x96: {  	_ =	strace s3  }
0x97: {  	_ =	strace $0x8FFFFFFF  }
0x98: {  	s19 =	sld [smem:$0x3FDB];
	_ =	sdelay $0x1  }
0x99: {  	s4 =	simm.s32 $_scs_section_size  }
0x9a: {  	s5 =	simm.s32 $_size__tile_overlayer_lowered;
	s6 =	simm.s32 $_tile_overlayer_lowered  }
0x9b: {  	s22 =	simm.s32 $0x1BFF;
	s21 =	sshll.u32 s6, $0x1;
	s3 =	sadd.s32 s4, s19  }
0x9c: {  	s7 =	simm.s32 $0x0;
	s20 =	sshll.u32 s5, $0x1;
	s5 =	sadd.s32 s21, s3  }
0x9d: {  	[timem:s7], [sflag:s22] =	dma.local [hbm:s5], s20  }
0x9e: {  	_ =	swait.ge [sflag:s22], s20  }
0x9f: {  	s4 =	ssub.s32 $0x0, s20;
	[sflag:s22] =	ssyncset.done $0x0  }
0xa0: {  	[sflag:s22] =	ssyncadd.s32 s4;
	_ =	sdelay $0x1  }
0xa1: {  	s23 =	simm.s32 $0x1B8B  }
0xa2: {  	_ =	swait.ge [sflag:s23], $0x1  }
0xa3: {  	[sflag:s23] =	ssyncset.done $0x0  }
0xa4: {  	s25 =	simm.s32 $0x1B8E;
	s24 =	sld [smem:$0x3FFE];
	[sflag:s23] =	ssyncadd.s32 $0xFFFFFFFF  }
0xa5: {  	s26 =	simm.s32 $execute0_lowered;
	[smem:$0x3FD2] =	sst s25  }
0xa6: {  	s5 =	sshll.u32 s26, $0x1;
	_ =	strace $0x80000046;
	[dreg:$0x1] =	wrdreg $0xFFFFFFFF  }
0xa7: {  	s28 =	simm.s32 $_size_execute0_lowered;
	s3 =	sadd.s32 s3, s5;
	[dreg:$0x0] =	wrdreg $0x0  }
0xa8: {  	s5 =	sshll.u32 s28, $0x1;
	[dreg:$0x2] =	wrdreg s3  }
0xa9: {  	[dreg:$0x3] =	wrdreg s5  }
0xaa: {  	[dreg:$0x4] =	wrdreg $0xC0  }
0xab: {  	_ =	task [dreg:s7], $0x5FFFF  }
0xac: {  	[dreg:$0x1] =	wrdreg $0xFFFFFFFF  }
0xad: {  	[dreg:$0x0] =	wrdreg $0x60  }
0xae: {  	[dreg:$0x2] =	wrdreg s24  }
0xaf: {  	[dreg:$0x3] =	wrdreg s2  }
0xb0: {  	[dreg:$0x4] =	wrdreg $0x8D800  }
0xb1: {  	[dreg:$0x5] =	wrdreg $0x9  }
0xb2: {  	_ =	task.clear_ibuf [dreg:s7], $0x6FFFF;
	_ =	strace $0x90000046  }
0xb3: {  	s29 =	simm.s32 $0x9;
	_ =	strace $0x80000048  }
0xb4: {  	_ =	swait.ge [sflag:s29], $0x1  }
0xb5: {  	[sflag:s29] =	ssyncadd.s32 $0xFFFFFFFF  }
0xb6: {  	_ =	strace $0x90000048  }
0xb7: {  	_ =	sfence  }
0xb8: {  	s30 =	sld [smem:$0x0];
	_ =	sdelay $0x2  }
0xb9: {  	s31 =	sshll.u32 s1, $0xD;
	s1 =	sshrl.u32 s1, $0x2  }
0xba: {  	s3 =	sand.u32 $0x4000, s31;
	s1 =	sadd.s32 s1, s30  }
0xbb: {  	s0 =	sor.u32 s3, s0;
	s1 =	sshll.u32 s1, $0x11  }
0xbc: {  	s0 =	sor.u32 s1, s0  }
0xbd: {  	s0 =	sadd.s32 $0x8F2B, s0  }
0xbe: {  	[sflag:s0] =	ssyncadd.remote.s32 $0x1  }
0xbf: {  	_ =	sfence.sel $0xFFFF  }
0xc0: {  	[dreg:$0x0] =	wrdreg $0xFFFFFFFF;
	(pc) =	sbr.abs _section_cstart, $3  }
0xc1: {  	[dreg:$0x1] =	wrdreg $0xFFFFFFFF  }
0xc2: {  	_ =	task.clear_ibuf [dreg:s7], $0x2FFFF;
	_ =	strace $0x9FFFFFFF  }
0xc3: {  	(tm) =	ssettm $0x7FFFFFFF  }
tec
execute0_lowered:
.L_overlay_start_1:
0x0: {  	(tag) =	ssettag $0x1  }
0x1: {  	s5 =	rddreg [dreg:$0x0]  }
0x2: {  	s2 =	rddreg [dreg:$0x1];
	s1 =	srdreg.scid  }
0x3: {  	s0 =	stileid.u32;
	s3 =	rddreg [dreg:$0x2];
	s4 =	simm.s32 $0x0  }
0x4: {  	s13 =	simm.s32 $0x2800;
	s14 =	simm.s32 $0x2;
	s15 =	simm.s32 $0x1  }
0x5: {  	s16 =	simm.s32 $0x8C00;
	s17 =	simm.s32 $0x4;
	s18 =	simm.s32 $0x8C80  }
0x6: {  	s19 =	simm.s32 $0x3;
	s20 =	simm.s32 $0x3C00;
	s21 =	simm.s32 $0x6400  }
0x7: {  	s23 =	simm.s32 $0x400;
	s24 =	simm.s32 $0x0;
	s6 =	sand.u32 $0x1, s1  }
0x8: {  	s7 =	sshll.u32 s0, $0x1;
	s1 =	rddreg [dreg:$0x3];
	s8 =	sshrl.u32 s0, $0x2  }
0x9: {  	[smem:$0x7FF] =	sst s4;
	s10 =	sadd.s32 $0x1800, s5;
	s31 =	sshll.u32 s0, $0x4  }
0xa: {  	s22 =	sor.u32 s6, s7;
	s8 =	smul.u32 $0x14000, s8;
	s7 =	ssub.s32 s7, s6  }
0xb: {  	_ =	strace $0x80000047;
	s28 =	ssub.s32 $0x2, s6;
	s26 =	smul.u32 $0x1388, s22  }
0xc: {  	s9 =	sshll.u32 s22, $0x7;
	s7 =	smul.u32 $0x1388, s7;
	s6 =	sshrl.u32 s28, $0x1  }
0xd: {  	p0 =	sne.s32 s22, $0x0;
	s22 =	simm.s32 $0x80;
	s9 =	sand.u32 $0x380, s9  }
0xe: {  	s12 =	ssub.s32 s28, s6;
	s8 =	sor.u32 s8, s9;
	s7 =	sadd.s32 $0x1388, s7  }
0xf: {  	s29 =	sshrl.u32 s26, $0x3;
	s8 =	sshrl.u32 s8, $0x3;
	s30 =	sshrl.u32 s7, $0x3  }
0x10: {  	s11 =	sadd.s32 s8, s5;
	s5 =	sadd.s32 s10, s29;
	s6 =	sadd.s32 s10, s30  }
0x11: {  	s8 =	sadd.s32 s31, s3;
	s7 =	sadd.s32 $0x4E20, s5;
	s9 =	sadd.s32 $0xB600, s11  }
0x12: {  	v0 =	vimm.f32 $0.0e+00;
	vm0 =	vmmov $0xff;
	s10 =	sadd.s32 $0x15600, s11;
	s11 =	smax.u32 s12, $0x1;
	s12 =	simm.s32 $0x1400  }
.LBB2_1:
0x13: {  	[tilespmem:s12], [sflag:$0x2] =	stream.linear.gather [hbm4b:s5+s4], $0x1388, $0x38;
	[tilespmem:$0x8D90] =	vst v63  }
0x14: {  	_ = 	snop  }
0x15: {  	[tilespmem:s4], [sflag:$0x1] =	stream.linear.gather [hbm4b:s6+s4], $0x1388, $0x38;
	[tilespmem:$0x8D90] =	vst v63  }
0x16: {  	s25 =	simm.s32 $0x3C40  }
0x17: {  	[tilespmem:s13], [sflag:$0x3] =	stream.linear.gather [hbm4b:s7+s4], $0x1388, $0x38;
	[tilespmem:$0x8D90] =	vst v63  }
0x18: {  	[tilespmem:s25+$0x30] =	vst v0  }
0x19: {  	[tilespmem:s25+$0xFFFFFFF0] =	vst v0  }
0x1a: {  	[tilespmem:s25+$0xFFFFFFC0] =	vst v0  }
0x1b: {  	[tilespmem:s25+$0xFFFFFFE0] =	vst v0  }
0x1c: {  	[tilespmem:s25+$0x10] =	vst v0  }
0x1d: {  	[tilespmem:s25+$0x20] =	vst v0  }
0x1e: {  	[tilespmem:s25+$0x0] =	vst v0  }
0x1f: {  	s26 =	simm.s32 $0x6440;
	[tilespmem:s25+$0xFFFFFFD0] =	vst v0  }
0x20: {  	[tilespmem:s26+$0xFFFFFFC0] =	vst v0  }
0x21: {  	[tilespmem:s26+$0x30] =	vst v0  }
0x22: {  	[tilespmem:s26+$0x20] =	vst v0  }
0x23: {  	[tilespmem:s26+$0x10] =	vst v0  }
0x24: {  	[tilespmem:s26+$0xFFFFFFE0] =	vst v0  }
0x25: {  	[tilespmem:s26+$0x0] =	vst v0  }
0x26: {  	s28 =	simm.s32 $0x0;
	[tilespmem:s26+$0xFFFFFFF0] =	vst v0  }
.LBB2_2:
0x27: {  	s28 =	sadd.s32 $0x8, s28;
	[tilespmem:s26+$0xFFFFFFD0] =	vst v0;
	s25 =	sadd.s32 $0x80, s25;
	s26 =	sadd.s32 $0x80, s26  }
0x28: {  	[tilespmem:s25+$0x30] =	vst v0;
	p1 =	slt.u32 s28, $0x278  }
0x29: {  	[tilespmem:s25+$0xFFFFFFF0] =	vst v0  }
0x2a: {  	[tilespmem:s25+$0xFFFFFFC0] =	vst v0  }
0x2b: {  	[tilespmem:s26+$0xFFFFFFC0] =	vst v0  }
0x2c: {  	[tilespmem:s26+$0x30] =	vst v0  }
0x2d: {  	[tilespmem:s25+$0xFFFFFFE0] =	vst v0  }
0x2e: {  	[tilespmem:s25+$0x10] =	vst v0  }
0x2f: {  	[tilespmem:s25+$0x20] =	vst v0  }
0x30: {  	[tilespmem:s26+$0x20] =	vst v0  }
0x31: {  	[tilespmem:s26+$0x10] =	vst v0  }
.Ltmp0:
0x32: {  	[tilespmem:s26+$0xFFFFFFE0] =	vst v0;
	(pc) =	sbr.rel @p1 .LBB2_2-.Ltmp0, $4  }
0x33: {  	[tilespmem:s25+$0x0] =	vst v0  }
0x34: {  	[tilespmem:s26+$0x0] =	vst v0  }
0x35: {  	[tilespmem:s26+$0xFFFFFFF0] =	vst v0  }
0x36: {  	[tilespmem:s25+$0xFFFFFFD0] =	vst v0  }
0x37: {  	[tilespmem:s26+$0xFFFFFFD0] =	vst v0  }
0x38: {  	_ =	swait.ge [sflag:s14], $0x1388  }
0x39: {  	[sflag:s14] =	ssyncset.done $0x0  }
0x3a: {  	s31 =	simm.s32 $0x1440;
	[sflag:s14] =	ssyncadd.s32 $0xFFFFEC78  }
0x3b: {  	v1 =	vld [tilespmem:s31+$0xFFFFFFC0];
	_ =	sdelay $0x1  }
0x3c: {  	v2 =	vld [tilespmem:s31+$0xFFFFFFD0];
	_ =	sdelay $0x1  }
0x3d: {  	v3 =	vimm.s32 $0x40000000;
	v4 =	vld [tilespmem:s31+$0xFFFFFFE0]  }
0x3e: {  	vm1 =	vlt.s32 v3, v1  }
0x3f: {  	v5 =	vld [tilespmem:s31+$0xFFFFFFF0];
	v1 =	vsel vm1, v3, v1  }
0x40: {  	vm1 =	vlt.s32 v1, v2  }
0x41: {  	v1 =	vsel vm1, v1, v2;
	v2 =	vld [tilespmem:s31+$0x0]  }
0x42: {  	vm1 =	vlt.s32 v1, v4  }
0x43: {  	v3 =	vld [tilespmem:s31+$0x10];
	v1 =	vsel vm1, v1, v4  }
0x44: {  	vm1 =	vlt.s32 v1, v5  }
0x45: {  	v4 =	vsel vm1, v1, v5;
	v1 =	vld [tilespmem:s31+$0x20]  }
0x46: {  	vm1 =	vlt.s32 v4, v2  }
0x47: {  	v4 =	vsel vm1, v4, v2;
	v2 =	vld [tilespmem:s31+$0x30]  }
0x48: {  	s25 =	simm.s32 $0x0;
	s26 =	simm.s32 $0x14C0;
	vm1 =	vlt.s32 v4, v3  }
.LBB2_4:
0x49: {  	v5 =	vld [tilespmem:s26+$0xFFFFFFC0];
	s25 =	sadd.s32 $0x8, s25;
	v3 =	vsel vm1, v4, v3  }
0x4a: {  	p1 =	slt.u32 s25, $0x130;
	vm1 =	vlt.s32 v3, v1  }
0x4b: {  	v4 =	vld [tilespmem:s26+$0xFFFFFFD0];
	v1 =	vsel vm1, v3, v1  }
0x4c: {  	vm1 =	vlt.s32 v1, v2  }
0x4d: {  	v3 =	vld [tilespmem:s26+$0xFFFFFFE0];
	v1 =	vsel vm1, v1, v2  }
0x4e: {  	vm1 =	vlt.s32 v1, v5  }
0x4f: {  	v1 =	vsel vm1, v1, v5;
	v2 =	vld [tilespmem:s26+$0xFFFFFFF0]  }
0x50: {  	vm1 =	vlt.s32 v1, v4  }
0x51: {  	v1 =	vsel vm1, v1, v4;
	v4 =	vld [tilespmem:s26+$0x0]  }
0x52: {  	vm1 =	vlt.s32 v1, v3  }
0x53: {  	v1 =	vsel vm1, v1, v3;
	v3 =	vld [tilespmem:s26+$0x10]  }
.Ltmp1:
0x54: {  	vm1 =	vlt.s32 v1, v2;
	(pc) =	sbr.rel @p1 .LBB2_4-.Ltmp1, $4  }
0x55: {  	v2 =	vsel vm1, v1, v2;
	v1 =	vld [tilespmem:s26+$0x20]  }
0x56: {  	vm1 =	vlt.s32 v2, v4  }
0x57: {  	v4 =	vsel vm1, v2, v4;
	v2 =	vld [tilespmem:s26+$0x30]  }
0x58: {  	s26 =	sadd.s32 $0x80, s26;
	vm1 =	vlt.s32 v4, v3  }
0x59: {  	v5 =	vld [tilespmem:$0x2780];
	_ =	swait.ge [sflag:s15], $0x1388  }
0x5a: {  	v3 =	vsel vm1, v4, v3;
	[sflag:s15] =	ssyncset.done $0x0  }
0x5b: {  	s26 =	simm.s32 $0x40;
	vm1 =	vlt.s32 v3, v1;
	[sflag:s15] =	ssyncadd.s32 $0xFFFFEC78  }
0x5c: {  	v1 =	vsel vm1, v3, v1;
	v3 =	vld [tilespmem:s26+$0xFFFFFFC0]  }
0x5d: {  	vm1 =	vlt.s32 v1, v2  }
0x5e: {  	v4 =	vld [tilespmem:s26+$0xFFFFFFD0];
	v1 =	vsel vm1, v1, v2;
	v2 =	vnsel vm0, $0x40000000, v5  }
0x5f: {  	vm1 =	vlt.s32 v1, v2  }
0x60: {  	v1 =	vsel vm1, v1, v2;
	v2 =	vld [tilespmem:s26+$0xFFFFFFE0]  }
0x61: {  	vm1 =	vlt.s32 v1, v3  }
0x62: {  	v1 =	vsel vm1, v1, v3;
	v3 =	vld [tilespmem:s26+$0xFFFFFFF0]  }
0x63: {  	vm1 =	vlt.s32 v1, v4  }
0x64: {  	v1 =	vsel vm1, v1, v4;
	v4 =	vld [tilespmem:s26+$0x0]  }
0x65: {  	vm1 =	vlt.s32 v1, v2  }
0x66: {  	v2 =	vsel vm1, v1, v2;
	v1 =	vld [tilespmem:s26+$0x10]  }
0x67: {  	vm1 =	vlt.s32 v2, v3  }
0x68: {  	v3 =	vsel vm1, v2, v3;
	v2 =	vld [tilespmem:s26+$0x20]  }
0x69: {  	vm1 =	vlt.s32 v3, v4  }
0x6a: {  	v4 =	vsel vm1, v3, v4;
	v3 =	vld [tilespmem:s26+$0x30]  }
0x6b: {  	s25 =	simm.s32 $0x0;
	s26 =	simm.s32 $0xC0;
	vm1 =	vlt.s32 v4, v1  }
.LBB2_6:
0x6c: {  	v5 =	vld [tilespmem:s26+$0xFFFFFFC0];
	s25 =	sadd.s32 $0x8, s25;
	v1 =	vsel vm1, v4, v1  }
0x6d: {  	p1 =	slt.u32 s25, $0x130;
	vm1 =	vlt.s32 v1, v2  }
0x6e: {  	v4 =	vld [tilespmem:s26+$0xFFFFFFD0];
	v1 =	vsel vm1, v1, v2  }
0x6f: {  	vm1 =	vlt.s32 v1, v3  }
0x70: {  	v2 =	vld [tilespmem:s26+$0xFFFFFFE0];
	v1 =	vsel vm1, v1, v3  }
0x71: {  	vm1 =	vlt.s32 v1, v5  }
0x72: {  	v1 =	vsel vm1, v1, v5;
	v3 =	vld [tilespmem:s26+$0xFFFFFFF0]  }
0x73: {  	vm1 =	vlt.s32 v1, v4  }
0x74: {  	v1 =	vsel vm1, v1, v4;
	v4 =	vld [tilespmem:s26+$0x0]  }
0x75: {  	vm1 =	vlt.s32 v1, v2  }
0x76: {  	v2 =	vsel vm1, v1, v2;
	v1 =	vld [tilespmem:s26+$0x10]  }
.Ltmp2:
0x77: {  	vm1 =	vlt.s32 v2, v3;
	(pc) =	sbr.rel @p1 .LBB2_6-.Ltmp2, $4  }
0x78: {  	v3 =	vsel vm1, v2, v3;
	v2 =	vld [tilespmem:s26+$0x20]  }
0x79: {  	vm1 =	vlt.s32 v3, v4  }
0x7a: {  	v4 =	vsel vm1, v3, v4;
	v3 =	vld [tilespmem:s26+$0x30]  }
0x7b: {  	s26 =	sadd.s32 $0x80, s26;
	vm1 =	vlt.s32 v4, v1  }
0x7c: {  	v5 =	vld [tilespmem:$0x1380]  }
0x7d: {  	v1 =	vsel vm1, v4, v1  }
0x7e: {  	vm1 =	vlt.s32 v1, v2  }
0x7f: {  	v1 =	vsel vm1, v1, v2  }
0x80: {  	vm1 =	vlt.s32 v1, v3  }
0x81: {  	v1 =	vsel vm1, v1, v3;
	v2 =	vnsel vm0, $0x40000000, v5  }
0x82: {  	vm1 =	vlt.s32 v1, v2  }
0x83: {  	v1 =	vsel vm1, v1, v2  }
0x84: {  	[tilespmem:$0x8C00] =	vst v1  }
0x85: {  	[spmem:s8] =	stream.linear.scatter [tilespmem:s16], [sflag:$0x4], $0x10, $0x38;
	[tilespmem:$0x8D90] =	vst v63  }
0x86: {  	_ =	swait.ge [sflag:s17], $0x10  }
0x87: {  	[sflag:s17] =	ssyncset.done $0x0  }
0x88: {  	[sflag:s17] =	ssyncadd.s32 $0xFFFFFFF0  }
0x89: {  	[bflag:$0x0] =	sbarrier.arrive $0xFFFF  }
0x8a: {  	[tilespmem:s18], [sflag:$0x4] =	stream.linear.gather [spmem:s3], $0x100, $0x38;
	[tilespmem:$0x8D90] =	vst v63  }
0x8b: {  	_ =	swait.ge [sflag:s17], $0x100  }
0x8c: {  	[sflag:s17] =	ssyncset.done $0x0  }
0x8d: {  	[sflag:s17] =	ssyncadd.s32 $0xFFFFFF00  }
0x8e: {  	v2 =	vld [tilespmem:$0x8C80];
	_ =	sdelay $0x1  }
0x8f: {  	v3 =	vld [tilespmem:$0x8C90];
	_ =	sdelay $0x1  }
0x90: {  	v4 =	vld [tilespmem:$0x8CA0]  }
0x91: {  	vm1 =	vlt.s32 v1, v2  }
0x92: {  	v1 =	vsel vm1, v1, v2;
	v2 =	vld [tilespmem:$0x8CB0]  }
0x93: {  	vm1 =	vlt.s32 v1, v3  }
0x94: {  	v1 =	vsel vm1, v1, v3;
	v3 =	vld [tilespmem:$0x8CC0]  }
0x95: {  	vm1 =	vlt.s32 v1, v4  }
0x96: {  	v1 =	vsel vm1, v1, v4;
	v4 =	vld [tilespmem:$0x8CD0]  }
0x97: {  	vm1 =	vlt.s32 v1, v2  }
0x98: {  	v1 =	vsel vm1, v1, v2;
	v2 =	vld [tilespmem:$0x8CE0]  }
0x99: {  	vm1 =	vlt.s32 v1, v3  }
0x9a: {  	v1 =	vsel vm1, v1, v3;
	v3 =	vld [tilespmem:$0x8CF0]  }
0x9b: {  	vm1 =	vlt.s32 v1, v4  }
0x9c: {  	v1 =	vsel vm1, v1, v4;
	v4 =	vld [tilespmem:$0x8D00]  }
0x9d: {  	vm1 =	vlt.s32 v1, v2  }
0x9e: {  	v1 =	vsel vm1, v1, v2;
	v2 =	vld [tilespmem:$0x8D10]  }
0x9f: {  	vm1 =	vlt.s32 v1, v3  }
0xa0: {  	v1 =	vsel vm1, v1, v3;
	v3 =	vld [tilespmem:$0x8D20]  }
0xa1: {  	vm1 =	vlt.s32 v1, v4  }
0xa2: {  	v1 =	vsel vm1, v1, v4;
	v4 =	vld [tilespmem:$0x8D30]  }
0xa3: {  	vm1 =	vlt.s32 v1, v2  }
0xa4: {  	v1 =	vsel vm1, v1, v2;
	v2 =	vld [tilespmem:$0x8D40]  }
0xa5: {  	vm1 =	vlt.s32 v1, v3  }
0xa6: {  	v1 =	vsel vm1, v1, v3;
	v3 =	vld [tilespmem:$0x8D50]  }
0xa7: {  	vm1 =	vlt.s32 v1, v4  }
0xa8: {  	v1 =	vsel vm1, v1, v4;
	v4 =	vld [tilespmem:$0x8D60]  }
0xa9: {  	vm1 =	vlt.s32 v1, v2  }
0xaa: {  	v1 =	vsel vm1, v1, v2;
	v2 =	vld [tilespmem:$0x8D70]  }
0xab: {  	vm1 =	vlt.s32 v1, v3  }
0xac: {  	v1 =	vsel vm1, v1, v3  }
0xad: {  	vm1 =	vlt.s32 v1, v4  }
0xae: {  	v1 =	vsel vm1, v1, v4  }
0xaf: {  	vm1 =	vlt.s32 v1, v2  }
0xb0: {  	v1 =	vsel vm1, v1, v2  }
0xb1: {  	v1 =	vxor.u32 $0x80000000, v1  }
0xb2: {  	(xrf0) =	vmin.scan.msk.u32 $0xffff, v1;
	_ =	sdelay $0x5  }
0xb3: {  	v1, _, _ =	vpop (xrf0)  }
0xb4: {  	(v2sf) =	vpush v1, $0xF;
	_ =	sdelay $0xe  }
0xb5: {  	s25 =	spop (v2sf)  }
0xb6: {  	_ =	swait.ge [sflag:s19], $0x1388  }
0xb7: {  	[sflag:s19] =	ssyncset.done $0x0  }
0xb8: {  	s26 =	simm.s32 $0x2840;
	[sflag:s19] =	ssyncadd.s32 $0xFFFFEC78  }
0xb9: {  	s28 =	simm.s32 $0x1440;
	v7 =	vld [tilespmem:s26+$0xFFFFFFC0]  }
0xba: {  	v8 =	vld [tilespmem:s28+$0xFFFFFFC0]  }
0xbb: {  	v4 =	vld [tilespmem:s28+$0x10]  }
0xbc: {  	s25 =	sxor.u32 $0x80000000, s25;
	v2 =	vld [tilespmem:s26+$0x10]  }
0xbd: {  	v1 =	vmov s25;
	v11 =	vld [tilespmem:s26+$0x20]  }
0xbe: {  	v10 =	vld [tilespmem:s28+$0x20];
	(xrf1) =	vunique.msk.u32 $0xffff, v7;
	vm1 =	veq.s32 v7, v1  }
0xbf: {  	v6 =	vld [tilespmem:s28+$0xFFFFFFD0];
	v14 =	vnsel vm1, $0x27FF, v8  }
0xc0: {  	v5 =	vld [tilespmem:s26+$0xFFFFFFD0];
	(xrf1) =	vunique.msk.u32 $0xffff, v14  }
0xc1: {  	v8 =	vld [tilespmem:s26+$0xFFFFFFF0];
	vm1 =	veq.s32 v2, v1;
	(xrf1) =	vunique.msk.u32 $0xffff, v2  }
0xc2: {  	v4 =	vnsel vm1, $0x27FF, v4;
	vm1 =	veq.s32 v11, v1;
	(xrf1) =	vunique.msk.u32 $0xffff, v11  }
0xc3: {  	v13 =	vld [tilespmem:s28+$0xFFFFFFE0];
	v15 =	vnsel vm1, $0x27FF, v10;
	(xrf1) =	vunique.msk.u32 $0xffff, v4  }
0xc4: {  	v12 =	vld [tilespmem:s28+$0x30];
	(xrf1) =	vunique.msk.u32 $0xffff, v15  }
0xc5: {  	v9 =	vld [tilespmem:s26+$0x30];
	vm1 =	veq.s32 v5, v1;
	(xrf1) =	vunique.msk.u32 $0xffff, v5  }
0xc6: {  	v10 =	vld [tilespmem:s26+$0xFFFFFFE0];
	v6 =	vnsel vm1, $0x27FF, v6;
	(xrf1) =	vunique.msk.u32 $0xffff, v8  }
0xc7: {  	v3 =	vld [tilespmem:s26+$0x0];
	(xrf1) =	vunique.msk.u32 $0xffff, v6  }
0xc8: {  	v17 =	vld [tilespmem:s28+$0xFFFFFFF0];
	_ =	sdelay $0x1  }
0xc9: {  	vm1 =	veq.s32 v9, v1  }
0xca: {  	v16 =	vnsel vm1, $0x27FF, v12;
	vm3 =	veq.s32 v10, v1;
	(xrf1) =	vunique.msk.u32 $0xffff, v9  }
0xcb: {  	vm2 =	veq.s32 v8, v1;
	v13 =	vnsel vm3, $0x27FF, v13;
	_, v18, vm3 =	vpop (xrf1);
	(xrf1) =	vunique.msk.u32 $0xffff, v16  }
0xcc: {  	s25 =	simm.s32 $0x0;
	vm4 =	veq.s32 v3, v1;
	s26 =	simm.s32 $0x28C0;
	v12 =	vnsel vm2, $0x27FF, v17;
	v17 =	vld [tilespmem:s28+$0x0];
	s28 =	simm.s32 $0x14C0  }
.LBB2_8:
0xcd: {  	v19 =	vld [tilespmem:s28+$0x10];
	s25 =	sadd.s32 $0x8, s25;
	_, v20, vm5 =	vpop (xrf1);
	(xrf1) =	vunique.msk.u32 $0xffff, v12  }
0xce: {  	v21 =	vld [tilespmem:s26+$0x10];
	p1 =	slt.u32 s25, $0x130;
	_, v22, vm1 =	vpop (xrf1)  }
0xcf: {  	v18 =	vcvt.s32.f32 v18;
	v23 =	vld [tilespmem:s28+$0xFFFFFFD0];
	v22 =	vcvt.s32.f32 v22;
	(xrf1) =	vunique.msk.u32 $0xffff, v10;
	_, v24, vm6 =	vpop (xrf1)  }
0xd0: {  	v28 =	vcvt.s32.f32 v20;
	v25 =	vld [tilespmem:s28+$0x20];
	(xrf1) =	vunique.msk.u32 $0xffff, v3;
	_, v26, vm2 =	vpop (xrf1)  }
0xd1: {  	[tilespmem:v7+s20+$0x0] =	vst.idx.add.f32.msk vm3, v18;
	v18 =	vcvt.s32.f32 v26;
	_, v26, vm7 =	vpop (xrf1)  }
0xd2: {  	v17 =	vnsel vm4, $0x27FF, v17;
	v7 =	vld [tilespmem:s26+$0xFFFFFFC0];
	_, v27, vm4 =	vpop (xrf1);
	(xrf1) =	vunique.msk.u32 $0xffff, v13  }
0xd3: {  	[tilespmem:v14+s21+$0x0] =	vst.idx.add.f32.msk vm5, v28;
	_, v20, vm5 =	vpop (xrf1);
	(xrf1) =	vunique.msk.u32 $0xffff, v17  }
0xd4: {  	v14 =	vcvt.s32.f32 v24;
	v28 =	vld [tilespmem:s28+$0xFFFFFFE0];
	_, v24, vm3 =	vpop (xrf1)  }
0xd5: {  	v29 =	vld [tilespmem:s26+$0x0]  }
0xd6: {  	v27 =	vcvt.s32.f32 v27;
	[tilespmem:v11+s20+$0x0] =	vst.idx.add.f32.msk vm6, v14;
	v11 =	vcvt.s32.f32 v26  }
0xd7: {  	v14 =	vld [tilespmem:s28+$0xFFFFFFC0]  }
0xd8: {  	[tilespmem:v15+s21+$0x0] =	vst.idx.add.f32.msk vm7, v11;
	_, v15, vm6 =	vpop (xrf1)  }
0xd9: {  	v26 =	vld [tilespmem:s28+$0xFFFFFFF0];
	_, v30, vm8 =	vpop (xrf1)  }
0xda: {  	v31 =	vld [tilespmem:s26+$0xFFFFFFD0]  }
0xdb: {  	v11 =	vld [tilespmem:s26+$0x20];
	_, v32, vm7 =	vpop (xrf1)  }
0xdc: {  	v15 =	vcvt.s32.f32 v15;
	v33 =	vld [tilespmem:s28+$0x30]  }
0xdd: {  	vm10 =	veq.s32 v21, v1;
	vm9 =	veq.s32 v7, v1;
	v30 =	vcvt.s32.f32 v30;
	v34 =	vld [tilespmem:s26+$0xFFFFFFF0];
	(xrf1) =	vunique.msk.u32 $0xffff, v7;
	_, v35, vm11 =	vpop (xrf1)  }
0xde: {  	v19 =	vnsel vm10, $0x27FF, v19;
	v14 =	vnsel vm9, $0x27FF, v14;
	[tilespmem:v9+s20+$0x0] =	vst.idx.add.f32.msk vm6, v15;
	_, v36, vm6 =	vpop (xrf1)  }
0xdf: {  	v37 =	vcvt.s32.f32 v20;
	v9 =	vld [tilespmem:s26+$0x30];
	(xrf1) =	vunique.msk.u32 $0xffff, v14  }
0xe0: {  	v32 =	vcvt.s32.f32 v32;
	vm9 =	veq.s32 v11, v1;
	(xrf1) =	vunique.msk.u32 $0xffff, v21;
	[tilespmem:v16+s21+$0x0] =	vst.idx.add.f32.msk vm8, v30;
	_, v16, vm8 =	vpop (xrf1)  }
0xe1: {  	v15 =	vnsel vm9, $0x27FF, v25;
	(xrf1) =	vunique.msk.u32 $0xffff, v11;
	v25 =	vcvt.s32.f32 v35;
	[tilespmem:v8+s20+$0x0] =	vst.idx.add.f32.msk vm5, v37;
	_, v20, vm5 =	vpop (xrf1)  }
0xe2: {  	v30 =	vcvt.s32.f32 v36;
	vm9 =	veq.s32 v34, v1;
	(xrf1) =	vunique.msk.u32 $0xffff, v19;
	[tilespmem:v12+s21+$0x0] =	vst.idx.add.f32.msk vm7, v32;
	v8 =	vmovc v34  }
0xe3: {  	v12 =	vnsel vm9, $0x27FF, v26;
	(xrf1) =	vunique.msk.u32 $0xffff, v15;
	[tilespmem:v10+s20+$0x0] =	vst.idx.add.f32.msk vm11, v25  }
0xe4: {  	v16 =	vcvt.s32.f32 v16;
	vm7 =	veq.s32 v31, v1;
	(xrf1) =	vunique.msk.u32 $0xffff, v31;
	[tilespmem:v5+s20+$0x0] =	vst.idx.add.f32.msk vm4, v27;
	v5 =	vmovc v31  }
0xe5: {  	v20 =	vcvt.s32.f32 v20;
	v23 =	vnsel vm7, $0x27FF, v23;
	v10 =	vld [tilespmem:s26+$0xFFFFFFE0];
	(xrf1) =	vunique.msk.u32 $0xffff, v8  }
0xe6: {  	vm4 =	veq.s32 v29, v1;
	(xrf1) =	vunique.msk.u32 $0xffff, v23;
	[tilespmem:v13+s21+$0x0] =	vst.idx.add.f32.msk vm8, v16  }
0xe7: {  	[tilespmem:v3+s20+$0x0] =	vst.idx.add.f32.msk vm6, v30;
	v3 =	vmov v29  }
.Ltmp3:
0xe8: {  	v13 =	vcvt.s32.f32 v24;
	[tilespmem:v2+s20+$0x0] =	vst.idx.add.f32.msk vm1, v22;
	v2 =	vmov v21;
	(pc) =	sbr.rel @p1 .LBB2_8-.Ltmp3, $4  }
0xe9: {  	vm1 =	veq.s32 v9, v1;
	[tilespmem:v4+s21+$0x0] =	vst.idx.add.f32.msk vm2, v18;
	v4 =	vmov v19  }
0xea: {  	v16 =	vnsel vm1, $0x27FF, v33;
	vm2 =	veq.s32 v10, v1;
	(xrf1) =	vunique.msk.u32 $0xffff, v9;
	[tilespmem:v6+s21+$0x0] =	vst.idx.add.f32.msk vm3, v13;
	v6 =	vmovc v23  }
0xeb: {  	v13 =	vnsel vm2, $0x27FF, v28;
	_, v18, vm3 =	vpop (xrf1);
	(xrf1) =	vunique.msk.u32 $0xffff, v16;
	[tilespmem:v17+s21+$0x0] =	vst.idx.add.f32.msk vm5, v20  }
0xec: {  	s26 =	sadd.s32 $0x80, s26;
	v17 =	vld [tilespmem:s28+$0x0];
	s28 =	sadd.s32 $0x80, s28  }
0xed: {  	(xrf1) =	vunique.msk.u32 $0xffff, v12;
	_ =	sdelay $0x1  }
0xee: {  	(xrf1) =	vunique.msk.u32 $0xffff, v10  }
0xef: {  	(xrf1) =	vunique.msk.u32 $0xffff, v3  }
0xf0: {  	_, v19, vm5 =	vpop (xrf1);
	(xrf1) =	vunique.msk.u32 $0xffff, v13  }
0xf1: {  	_, v20, vm1 =	vpop (xrf1);
	v17 =	vnsel vm4, $0x27FF, v17  }
0xf2: {  	_, v21, vm6 =	vpop (xrf1);
	(xrf1) =	vunique.msk.u32 $0xffff, v17  }
0xf3: {  	_, v22, vm2 =	vpop (xrf1)  }
0xf4: {  	_, v23, vm7 =	vpop (xrf1)  }
0xf5: {  	v18 =	vcvt.s32.f32 v18;
	_, v24, vm8 =	vpop (xrf1)  }
0xf6: {  	v19 =	vcvt.s32.f32 v19;
	_, v25, vm9 =	vpop (xrf1)  }
0xf7: {  	[tilespmem:v7+s20+$0x0] =	vst.idx.add.f32.msk vm3, v18;
	v60 =	vcvt.s32.f32 v20;
	_, v26, vm12 =	vpop (xrf1)  }
0xf8: {  	v47 =	vcvt.s32.f32 v21;
	[tilespmem:v14+s21+$0x0] =	vst.idx.add.f32.msk vm5, v19;
	_, v27, vm10 =	vpop (xrf1)  }
0xf9: {  	v61 =	vcvt.s32.f32 v22;
	[tilespmem:v2+s20+$0x0] =	vst.idx.add.f32.msk vm1, v60;
	_, v28, vm11 =	vpop (xrf1)  }
0xfa: {  	v48 =	vcvt.s32.f32 v23;
	[tilespmem:v11+s20+$0x0] =	vst.idx.add.f32.msk vm6, v47;
	_, v18, vm3 =	vpop (xrf1)  }
0xfb: {  	v56 =	vcvt.s32.f32 v24;
	[tilespmem:v4+s21+$0x0] =	vst.idx.add.f32.msk vm2, v61  }
0xfc: {  	v53 =	vcvt.s32.f32 v25;
	[tilespmem:v15+s21+$0x0] =	vst.idx.add.f32.msk vm7, v48;
	_, v50, vm13 =	vpop (xrf1)  }
0xfd: {  	[tilespmem:v5+s20+$0x0] =	vst.idx.add.f32.msk vm8, v56;
	v49 =	vcvt.s32.f32 v27;
	_, v52, vm14 =	vpop (xrf1)  }
0xfe: {  	[tilespmem:v8+s20+$0x0] =	vst.idx.add.f32.msk vm9, v53;
	v55 =	vcvt.s32.f32 v18;
	_, v54, vm15 =	vpop (xrf1)  }
0xff: {  	v51 =	vcvt.s32.f32 v28;
	[tilespmem:v9+s20+$0x0] =	vst.idx.add.f32.msk vm10, v49  }
0x100: {  	v11 =	vcvt.s32.f32 v50;
	[tilespmem:v12+s21+$0x0] =	vst.idx.add.f32.msk vm3, v55;
	_, v58, vm3 =	vpop (xrf1)  }
0x101: {  	v59 =	vcvt.s32.f32 v52;
	[tilespmem:v16+s21+$0x0] =	vst.idx.add.f32.msk vm11, v51  }
0x102: {  	v57 =	vcvt.s32.f32 v54;
	[tilespmem:v10+s20+$0x0] =	vst.idx.add.f32.msk vm13, v11  }
0x103: {  	[tilespmem:v3+s20+$0x0] =	vst.idx.add.f32.msk vm14, v59;
	v3 =	vcvt.s32.f32 v26  }
0x104: {  	v2 =	vcvt.s32.f32 v58;
	[tilespmem:v13+s21+$0x0] =	vst.idx.add.f32.msk vm15, v57  }
0x105: {  	[tilespmem:v6+s21+$0x0] =	vst.idx.add.f32.msk vm12, v3  }
0x106: {  	[tilespmem:v17+s21+$0x0] =	vst.idx.add.f32.msk vm3, v2  }
0x107: {  	v2 =	vld [tilespmem:$0x3B80]  }
0x108: {  	v3 =	vld [tilespmem:$0x2780];
	_ =	sdelay $0x3  }
0x109: {  	v2 =	vnsel vm0, $0x27FF, v2  }
0x10a: {  	v3 =	vnsel vm0, $0x27FF, v3;
	vm1 =	veq.s32 v2, v1  }
0x10b: {  	(xrf1) =	vunique.msk.u32 $0xffff, v2;
	v3 =	vnsel vm1, $0x27FF, v3  }
0x10c: {  	(xrf1) =	vunique.msk.u32 $0xffff, v3;
	_ =	sdelay $0xc  }
0x10d: {  	_, v62, vm1 =	vpop (xrf1)  }
0x10e: {  	_, v63, vm2 =	vpop (xrf1);
	_ =	sdelay $0x2  }
0x10f: {  	v4 =	vcvt.s32.f32 v62  }
0x110: {  	v5 =	vcvt.s32.f32 v63  }
0x111: {  	[tilespmem:v2+s20+$0x0] =	vst.idx.add.f32.msk vm1, v4  }
0x112: {  	[tilespmem:v3+s21+$0x0] =	vst.idx.add.f32.msk vm2, v5  }
0x113: {  	[hbm4b:s9+s22] =	stream.strided.scatter [tilespmem:s20], [sflag:$0x1], $0x2800, s23, s22, $0x38;
	[tilespmem:$0x8D90] =	vst v63  }
0x114: {  	_ = 	snop  }
0x115: {  	[hbm4b:s10+s22] =	stream.strided.scatter [tilespmem:s21], [sflag:$0x2], $0x2800, s23, s22, $0x38;
	[tilespmem:$0x8D90] =	vst v63  }
0x116: {  	_ =	swait.ge [sflag:s15], $0x2800  }
0x117: {  	[sflag:s15] =	ssyncset.done $0x0  }
0x118: {  	[sflag:s15] =	ssyncadd.s32 $0xFFFFD800  }
0x119: {  	_ =	swait.ge [sflag:s14], $0x2800  }
0x11a: {  	[sflag:s14] =	ssyncset.done $0x0  }
0x11b: {  	s24 =	sadd.s32 $0x1, s24;
	[sflag:s14] =	ssyncadd.s32 $0xFFFFD800  }
0x11c: {  	s25 =	simm.s32 @!p0 $0x0;
	s26 =	simm.s32 @!p0 $0x8C00;
	p1 =	sne.s32 s24, s11;
	[tilespmem:$0x8C00] =	vst @!p0 v1  }
0x11d: {  	[hbm4b:s2+s25] =	stream.linear.scatter @!p0 [tilespmem:s26], [sflag:$0x4], $0x80, $0x38;
	[tilespmem:$0x8D90] =	vst v63  }
.Ltmp4:
0x11e: {  	_ = 	snop;
	(pc) =	sbr.rel @p1 .LBB2_1-.Ltmp4, $4  }
0x11f: {  	s25 =	simm.s32 @!p0 $0x4  }
0x120: {  	_ =	swait.ge @!p0 [sflag:s25], $0x80  }
0x121: {  	[sflag:s25] =	ssyncset.done @!p0 $0x0  }
0x122: {  	[sflag:s25] =	ssyncadd.s32 @!p0 $0xFFFFFF80  }
0x123: {  	_ =	sfence.sel $0x180000  }
0x124: {  	[bflag:$0x0] =	sbarrier.arrive $0xFFFF  }
0x125: {  	p0 =	sne.s32 s0, $0x0;
	_ =	strace $0x90000047  }
0x126: {  	s0 =	sadd.s32 @!p0 $0x100000, s1;
	[bflag:$0x2] =	sbarrier.arrive $0xFFFF  }
0x127: {  	[sflag:s0] =	ssyncadd.tile.s32 @!p0 $0x1;
	_ =	shalt  }
.Lfunc_end2:
_tile_overlayer_lowered:
.L_overlay_start_2:
0x128: {  	(tag) =	ssettag $0x2  }
0x129: {  	s0 =	rddreg [dreg:$0x0];
	s2 =	stileid.u32  }
0x12a: {  	s1 =	rddreg [dreg:$0x1];
	p0 =	sne.s32 s2, $0x0  }
0x12b: {  	s3 =	rddreg [dreg:$0x2];
	[bflag:$0x3] =	sbarrier.arrive $0xFFFF;
	s2 =	simm.s32 @!p0 $0x1C04  }
0x12c: {  	[timem:s3], [sflag:s2] =	dma.local @!p0 [hbm:s0], s1  }
0x12d: {  	s0 =	simm.s32 @!p0 $0x4  }
0x12e: {  	_ =	swait.ge @!p0 [sflag:s0], s1  }
0x12f: {  	s1 =	ssub.s32 @!p0 $0x0, s1;
	[sflag:s0] =	ssyncset.done @!p0 $0x0  }
0x130: {  	[sflag:s0] =	ssyncadd.s32 @!p0 s1  }
0x131: {  	[bflag:$0x3] =	sbarrier.arrive $0xFFFF  }
0x132: {  	_ =	shalt  }

</sc_bundles>
